<compile_context>
chip_gen: v7x
topology: tpu7x:2x2x1
jax: 0.10.2.dev20260603
libtpu: 0.0.44.dev20260713+nightly
codegen_flags: <defaults>
</compile_context>

<pallas_src>
import functools

import jax
import jax.numpy as jnp
from jax import lax
from jax.experimental import pallas as pl
from jax.experimental.pallas import tpu as pltpu
from jax.experimental.pallas import tpu_sc as plsc

NS = 16
NSC = 2
CK = 32
GC = 4


def _tc_body(x_ref, w_ref, s_ref, b_ref, y_ref, z_ref):
    xb = x_ref[...]
    y_ref[...] = jnp.dot(xb, w_ref[...], preferred_element_type=jnp.float32)
    z_ref[...] = jnp.dot(xb, s_ref[...], preferred_element_type=jnp.float32) + b_ref[...]


def _tc_prep(x, weight, self_loops, bias):
    N, D = x.shape
    R = 1000
    grid = (N // R,)
    return pl.pallas_call(
        _tc_body,
        grid=grid,
        in_specs=[
            pl.BlockSpec((R, D), lambda i: (i, 0)),
            pl.BlockSpec((D, D), lambda i: (0, 0)),
            pl.BlockSpec((D, D), lambda i: (0, 0)),
            pl.BlockSpec((1, D), lambda i: (0, 0)),
        ],
        out_specs=[
            pl.BlockSpec((R, D), lambda i: (i, 0)),
            pl.BlockSpec((R, D), lambda i: (i, 0)),
        ],
        out_shape=[
            jax.ShapeDtypeStruct((N, D), jnp.float32),
            jax.ShapeDtypeStruct((N, D), jnp.float32),
        ],
    )(x, weight, self_loops, bias.reshape(1, D))


def _make_sc_kernel(N, D, GROUPS):
    HN = N // 2
    rows = -(-N // (NS * 8)) * 8
    last = N - (NS - 1) * rows
    yrows = -(-HN // (NS * 8)) * 8
    ylast = HN - (NS - 1) * yrows
    mesh = plsc.VectorSubcoreMesh(core_axis_name="c", subcore_axis_name="s")

    @functools.partial(
        pl.kernel,
        out_type=jax.ShapeDtypeStruct((NSC, N, D), jnp.float32),
        mesh=mesh,
        scratch_types=[
            pltpu.VMEM((2, 1, GC, CK), jnp.int32),
            pltpu.VMEM((2, 1, GC, CK), jnp.int32),
            pltpu.VMEM((2, CK, D), jnp.float32),
            pltpu.VMEM_SHARED((HN + 8, D), jnp.float32),
            pltpu.VMEM_SHARED((N, D), jnp.float32),
            pltpu.SemaphoreType.DMA,
            pltpu.SemaphoreType.DMA,
            pltpu.SemaphoreType.DMA,
        ],
    )
    def sc_fn(y_hbm, z_hbm, zero_hbm, src_hbm, dst_hbm, out_hbm,
              src_v, dst_v, gbuf, y_sh, acc_sh, gsem, ssem, rsem):
        c = lax.axis_index("c")
        s = lax.axis_index("s")
        base = s * GROUPS

        def drain_buf(sem):
            pltpu.make_async_copy(y_hbm.at[pl.ds(0, CK)], gbuf.at[0], sem).wait()

        def drain_ring(sem):
            pltpu.make_async_copy(src_hbm.at[pl.ds(0, 1)], src_v.at[0], sem).wait()

        @pl.when(s < NS - 1)
        def _():
            pltpu.sync_copy(y_hbm.at[pl.ds(c * HN + s * yrows, yrows)],
                            y_sh.at[pl.ds(s * yrows, yrows)])

        @pl.when(s == NS - 1)
        def _():
            pltpu.sync_copy(y_hbm.at[pl.ds(c * HN + (NS - 1) * yrows, ylast)],
                            y_sh.at[pl.ds((NS - 1) * yrows, ylast)])
            pltpu.sync_copy(zero_hbm.at[pl.ds(0, 8)], y_sh.at[pl.ds(HN, 8)])

        @pl.when(c == 0)
        def _():
            @pl.when(s < NS - 1)
            def _():
                pltpu.sync_copy(z_hbm.at[pl.ds(s * rows, rows)],
                                acc_sh.at[pl.ds(s * rows, rows)])

            @pl.when(s == NS - 1)
            def _():
                pltpu.sync_copy(z_hbm.at[pl.ds((NS - 1) * rows, last)],
                                acc_sh.at[pl.ds((NS - 1) * rows, last)])

        @pl.when((c == 1) & (s == 0))
        def _():
            pltpu.sync_copy(zero_hbm, acc_sh.at[pl.ds(0, 128)])

        plsc.subcore_barrier()

        @pl.when(c == 1)
        def _():
            nfull, rem = divmod(rows, 128)
            for t in range(nfull):
                @pl.when((s > 0) | (t > 0))
                def _():
                    pltpu.sync_copy(acc_sh.at[pl.ds(0, 128)],
                                    acc_sh.at[pl.ds(s * rows + t * 128, 128)])
            if rem:
                @pl.when(s < NS - 1)
                def _():
                    pltpu.sync_copy(acc_sh.at[pl.ds(0, rem)],
                                    acc_sh.at[pl.ds(s * rows + nfull * 128, rem)])
            lrem = last - (last // 128) * 128
            if lrem:
                @pl.when(s == NS - 1)
                def _():
                    pltpu.sync_copy(acc_sh.at[pl.ds(0, lrem)],
                                    acc_sh.at[pl.ds((NS - 1) * rows + (last // 128) * 128, lrem)])

        pltpu.async_copy(src_hbm.at[pl.ds(base, 1)], src_v.at[0], rsem)
        pltpu.async_copy(dst_hbm.at[pl.ds(base, 1)], dst_v.at[0], rsem)
        plsc.subcore_barrier()

        lo = c * HN

        def remap(p):
            for r in range(GC):
                for k in range(CK // 16):
                    v = dst_v[p, 0, r, pl.ds(k * 16, 16)]
                    inr = (v >= lo) & (v < lo + HN)
                    dst_v[p, 0, r, pl.ds(k * 16, 16)] = jnp.where(inr, v - lo, HN)

        drain_ring(rsem)
        drain_ring(rsem)
        remap(0)
        pltpu.async_copy(y_sh.at[dst_v.at[0, 0, 0]], gbuf.at[0], gsem)

        def group(g, carry):
            p = lax.rem(g, 2)
            pn = lax.rem(g + 1, 2)

            @pl.when(g + 1 < GROUPS)
            def _():
                pltpu.async_copy(src_hbm.at[pl.ds(base + g + 1, 1)], src_v.at[pn], rsem)
                pltpu.async_copy(dst_hbm.at[pl.ds(base + g + 1, 1)], dst_v.at[pn], rsem)

            for j in range(GC):
                if j == 0:
                    @pl.when(g > 0)
                    def _():
                        drain_buf(ssem)
                else:
                    drain_buf(ssem)
                if j + 1 < GC:
                    pltpu.async_copy(y_sh.at[dst_v.at[p, 0, j + 1]],
                                     gbuf.at[(j + 1) % 2], gsem)
                drain_buf(gsem)
                pltpu.async_copy(gbuf.at[j % 2], acc_sh.at[src_v.at[p, 0, j]],
                                 ssem, add=True)

            @pl.when(g + 1 < GROUPS)
            def _():
                drain_ring(rsem)
                drain_ring(rsem)
                remap(pn)
                pltpu.async_copy(y_sh.at[dst_v.at[pn, 0, 0]], gbuf.at[0], gsem)

            return carry

        lax.fori_loop(0, GROUPS, group, 0)
        drain_buf(ssem)
        plsc.subcore_barrier()

        @pl.when(s < NS - 1)
        def _():
            pltpu.sync_copy(acc_sh.at[pl.ds(s * rows, rows)],
                            out_hbm.at[c, pl.ds(s * rows, rows)])

        @pl.when(s == NS - 1)
        def _():
            pltpu.sync_copy(acc_sh.at[pl.ds((NS - 1) * rows, last)],
                            out_hbm.at[c, pl.ds((NS - 1) * rows, last)])

    return sc_fn


def kernel(x, edge_index, weight, self_loops, bias):
    N, D = x.shape
    E = edge_index.shape[0]
    GROUPS = -(-E // (NS * GC * CK))
    EP = NS * GROUPS * GC * CK
    pad = EP - E

    y, z = _tc_prep(x, weight, self_loops, bias)

    src = edge_index[:, 0]
    dst = edge_index[:, 1]
    srcp = jnp.concatenate([src, jnp.zeros((pad,), jnp.int32)]).reshape(NS * GROUPS, GC, CK)
    dstp = jnp.concatenate([dst, jnp.full((pad,), N, jnp.int32)]).reshape(NS * GROUPS, GC, CK)
    zero_blk = jnp.zeros((128, D), jnp.float32)

    out_sc = _make_sc_kernel(N, D, GROUPS)(y, z, zero_blk, srcp, dstp)
    return out_sc[0] + out_sc[1]

# --- scband reference (transcript-rebuilt; emitter-appended) ---
"""Pipeline reference for scband-gcn-50912542326918 (READ-ONLY COPY).

The authoritative reference and input builder live on the scoring server;
editing this copy changes nothing except your own understanding.
"""

import jax, jax.numpy as jnp
import numpy as np

N = 10000
E = 320000
D_IN = 128
D_OUT = 128


def setup_inputs(seed: int = 0) -> dict:
    key = jax.random.key(seed)
    k1, k2, k3, k4 = jax.random.split(key, 4)
    x = jax.random.normal(k1, (N, D_IN), dtype=jnp.float32)
    # edgelist rows are (src, dst); sparse adjacency A[src, dst] = 1.0
    edge_index = jax.random.randint(k2, (E, 2), 0, N, dtype=jnp.int32)
    # xavier_normal_ init for weight: std = sqrt(2 / (fan_in + fan_out))
    weight = jax.random.normal(k3, (D_IN, D_OUT), dtype=jnp.float32) * np.sqrt(2.0 / (D_IN + D_OUT))
    # self_loops initialized with standard normal (torch.nn.init.normal_)
    self_loops = jax.random.normal(k4, (D_IN, D_OUT), dtype=jnp.float32)
    # bias zero-initialized by reset_parameters
    bias = jnp.zeros((D_OUT,), dtype=jnp.float32)
    return {"x": x, "edge_index": edge_index, "weight": weight, "self_loops": self_loops, "bias": bias}


def reference(x, edge_index, weight, self_loops, bias):
    # torch.sparse.mm(A, x): out[i] = sum over edges (i, j) of weight_ij * x[j]
    # with all edge weights = 1.0 (2-column edgelist). Duplicate edges are
    # summed by COO coalescing, which segment_sum reproduces naturally.
    src = edge_index[:, 0]
    dst = edge_index[:, 1]
    gathered = jnp.take(x, dst, axis=0)                 # gather x[j] per edge
    agg = jax.ops.segment_sum(gathered, src, num_segments=N)  # scatter-add to row i
    x1 = agg @ weight
    x1 = x1 + x @ self_loops
    x1 = x1 + bias
    return x1

if __name__ == "__main__":
    import jax
    _d = setup_inputs()
    print(jax.jit(kernel)(*tuple(_d.values())))

</pallas_src>

<mosaic_0001>
#map = affine_map<(d0, d1) -> (0, 0)>
#map1 = affine_map<(d0, d1) -> (0, 0, 0)>
module attributes {stable_mosaic.version = 14 : i64} {
  func.func @sc_fn(%arg0: i32, %arg1: i32, %arg2: memref<10000x128xf32, #tpu.memory_space<hbm>>, %arg3: memref<10000x128xf32, #tpu.memory_space<hbm>>, %arg4: memref<128x128xf32, #tpu.memory_space<hbm>>, %arg5: memref<2512x4x32xi32, #tpu.memory_space<hbm>>, %arg6: memref<2512x4x32xi32, #tpu.memory_space<hbm>>, %arg7: memref<2x10000x128xf32, #tpu.memory_space<hbm>>, %arg8: memref<2x1x4x32xi32, #tpu.memory_space<vmem>>, %arg9: memref<2x1x4x32xi32, #tpu.memory_space<vmem>>, %arg10: memref<2x32x128xf32, #tpu.memory_space<vmem>>, %arg11: memref<5008x128xf32, #tpu.memory_space<vmem_shared>>, %arg12: memref<10000x128xf32, #tpu.memory_space<vmem_shared>>, %arg13: memref<!tpu.dma_semaphore, #tpu.memory_space<semaphore_mem>>, %arg14: memref<!tpu.dma_semaphore, #tpu.memory_space<semaphore_mem>>, %arg15: memref<!tpu.dma_semaphore, #tpu.memory_space<semaphore_mem>>) attributes {dimension_semantics = [#tpu.dimension_semantics<core_parallel>, #tpu.dimension_semantics<subcore_parallel>], iteration_bounds = array<i64: 2, 16>, scalar_prefetch = 0 : i64, scratch_operands = 8 : i64, tpu.core_type = #tpu.core_type<sc_vector_subcore>, window_params = [{transform_indices = #map}, {transform_indices = #map}, {transform_indices = #map}, {transform_indices = #map1}, {transform_indices = #map1}, {transform_indices = #map1}]} {
    %mul3A = arith.constant 157 : i32
    %mul3A_0 = arith.muli %arg1, %mul3A : i32
    %lt3A = arith.constant 15 : i32
    %lt3A_1 = arith.cmpi slt, %arg1, %lt3A : i32
    %convert_element_type3A = arith.extui %lt3A_1 : i1 to i32
    %cond3A = arith.constant 0 : i32
    %cond3A_2 = arith.cmpi ne, %convert_element_type3A, %cond3A : i32
    scf.if %cond3A_2 {
      %mul3A_382 = arith.constant 5000 : i32
      %mul3A_383 = arith.muli %arg0, %mul3A_382 : i32
      %mul3A_384 = arith.constant 320 : i32
      %mul3A_385 = arith.muli %arg1, %mul3A_384 : i32
      %add3A_386 = arith.addi %mul3A_383, %mul3A_385 : i32
      %mul3A_387 = arith.constant 320 : i32
      %mul3A_388 = arith.muli %arg1, %mul3A_387 : i32
      "tpu.region"() ({
        %run_scoped3A = tpu.sem_alloc : memref<!tpu.dma_semaphore, #tpu.memory_space<semaphore_mem>>
        %dma_start3A_389 = arith.constant 0 : i32
        %dma_start3A_390 = tpu.memref_slice %arg11[%mul3A_388, %dma_start3A_389] : memref<5008x128xf32, #tpu.memory_space<vmem_shared>> -> memref<320x128xf32, #tpu.memory_space<vmem_shared>>
        %dma_start3A_391 = arith.constant 0 : i32
        %dma_start3A_392 = tpu.memref_slice %arg2[%add3A_386, %dma_start3A_391] : memref<10000x128xf32, #tpu.memory_space<hbm>> -> memref<320x128xf32, #tpu.memory_space<hbm>>
        tpu.enqueue_dma source(%dma_start3A_392 : memref<320x128xf32, #tpu.memory_space<hbm>>) target(%dma_start3A_390 : memref<320x128xf32, #tpu.memory_space<vmem_shared>>) target_semaphore(%run_scoped3A : memref<!tpu.dma_semaphore, #tpu.memory_space<semaphore_mem>>)
        %dma_wait3A_393 = arith.constant 0 : i32
        %dma_wait3A_394 = tpu.memref_slice %arg11[%mul3A_388, %dma_wait3A_393] : memref<5008x128xf32, #tpu.memory_space<vmem_shared>> -> memref<320x128xf32, #tpu.memory_space<vmem_shared>>
        %dma_wait3A_395 = arith.constant 0 : i32
        %dma_wait3A_396 = tpu.memref_slice %arg2[%add3A_386, %dma_wait3A_395] : memref<10000x128xf32, #tpu.memory_space<hbm>> -> memref<320x128xf32, #tpu.memory_space<hbm>>
        tpu.wait_dma2 semaphore(%run_scoped3A : memref<!tpu.dma_semaphore, #tpu.memory_space<semaphore_mem>>) src(%dma_wait3A_396 : memref<320x128xf32, #tpu.memory_space<hbm>>) dst(%dma_wait3A_394 : memref<320x128xf32, #tpu.memory_space<vmem_shared>>)
        tpu.yield
      }) : () -> ()
    } else {
    }
    %eq3A = arith.constant 15 : i32
    %eq3A_3 = arith.cmpi eq, %arg1, %eq3A : i32
    %convert_element_type3A_4 = arith.extui %eq3A_3 : i1 to i32
    %cond3A_5 = arith.constant 0 : i32
    %cond3A_6 = arith.cmpi ne, %convert_element_type3A_4, %cond3A_5 : i32
    scf.if %cond3A_6 {
      %mul3A_382 = arith.constant 5000 : i32
      %mul3A_383 = arith.muli %arg0, %mul3A_382 : i32
      %add3A_384 = arith.constant 4800 : i32
      %add3A_385 = arith.addi %mul3A_383, %add3A_384 : i32
      "tpu.region"() ({
        %run_scoped3A = tpu.sem_alloc : memref<!tpu.dma_semaphore, #tpu.memory_space<semaphore_mem>>
        %dma_start3A_386 = arith.constant 4800 : i32
        %dma_start3A_387 = arith.constant 0 : i32
        %dma_start3A_388 = tpu.memref_slice %arg11[%dma_start3A_386, %dma_start3A_387] : memref<5008x128xf32, #tpu.memory_space<vmem_shared>> -> memref<200x128xf32, #tpu.memory_space<vmem_shared>>
        %dma_start3A_389 = arith.constant 0 : i32
        %dma_start3A_390 = tpu.memref_slice %arg2[%add3A_385, %dma_start3A_389] : memref<10000x128xf32, #tpu.memory_space<hbm>> -> memref<200x128xf32, #tpu.memory_space<hbm>>
        tpu.enqueue_dma source(%dma_start3A_390 : memref<200x128xf32, #tpu.memory_space<hbm>>) target(%dma_start3A_388 : memref<200x128xf32, #tpu.memory_space<vmem_shared>>) target_semaphore(%run_scoped3A : memref<!tpu.dma_semaphore, #tpu.memory_space<semaphore_mem>>)
        %dma_wait3A_391 = arith.constant 4800 : i32
        %dma_wait3A_392 = arith.constant 0 : i32
        %dma_wait3A_393 = tpu.memref_slice %arg11[%dma_wait3A_391, %dma_wait3A_392] : memref<5008x128xf32, #tpu.memory_space<vmem_shared>> -> memref<200x128xf32, #tpu.memory_space<vmem_shared>>
        %dma_wait3A_394 = arith.constant 0 : i32
        %dma_wait3A_395 = tpu.memref_slice %arg2[%add3A_385, %dma_wait3A_394] : memref<10000x128xf32, #tpu.memory_space<hbm>> -> memref<200x128xf32, #tpu.memory_space<hbm>>
        tpu.wait_dma2 semaphore(%run_scoped3A : memref<!tpu.dma_semaphore, #tpu.memory_space<semaphore_mem>>) src(%dma_wait3A_395 : memref<200x128xf32, #tpu.memory_space<hbm>>) dst(%dma_wait3A_393 : memref<200x128xf32, #tpu.memory_space<vmem_shared>>)
        tpu.yield
      }) : () -> ()
      "tpu.region"() ({
        %run_scoped3A = tpu.sem_alloc : memref<!tpu.dma_semaphore, #tpu.memory_space<semaphore_mem>>
        %dma_start3A_386 = arith.constant 5000 : i32
        %dma_start3A_387 = arith.constant 0 : i32
        %dma_start3A_388 = tpu.memref_slice %arg11[%dma_start3A_386, %dma_start3A_387] : memref<5008x128xf32, #tpu.memory_space<vmem_shared>> -> memref<8x128xf32, #tpu.memory_space<vmem_shared>>
        %dma_start3A_389 = arith.constant 0 : i32
        %dma_start3A_390 = arith.constant 0 : i32
        %dma_start3A_391 = tpu.memref_slice %arg4[%dma_start3A_389, %dma_start3A_390] : memref<128x128xf32, #tpu.memory_space<hbm>> -> memref<8x128xf32, #tpu.memory_space<hbm>>
        tpu.enqueue_dma source(%dma_start3A_391 : memref<8x128xf32, #tpu.memory_space<hbm>>) target(%dma_start3A_388 : memref<8x128xf32, #tpu.memory_space<vmem_shared>>) target_semaphore(%run_scoped3A : memref<!tpu.dma_semaphore, #tpu.memory_space<semaphore_mem>>)
        %dma_wait3A_392 = arith.constant 5000 : i32
        %dma_wait3A_393 = arith.constant 0 : i32
        %dma_wait3A_394 = tpu.memref_slice %arg11[%dma_wait3A_392, %dma_wait3A_393] : memref<5008x128xf32, #tpu.memory_space<vmem_shared>> -> memref<8x128xf32, #tpu.memory_space<vmem_shared>>
        %dma_wait3A_395 = arith.constant 0 : i32
        %dma_wait3A_396 = arith.constant 0 : i32
        %dma_wait3A_397 = tpu.memref_slice %arg4[%dma_wait3A_395, %dma_wait3A_396] : memref<128x128xf32, #tpu.memory_space<hbm>> -> memref<8x128xf32, #tpu.memory_space<hbm>>
        tpu.wait_dma2 semaphore(%run_scoped3A : memref<!tpu.dma_semaphore, #tpu.memory_space<semaphore_mem>>) src(%dma_wait3A_397 : memref<8x128xf32, #tpu.memory_space<hbm>>) dst(%dma_wait3A_394 : memref<8x128xf32, #tpu.memory_space<vmem_shared>>)
        tpu.yield
      }) : () -> ()
    } else {
    }
    %eq3A_7 = arith.constant 0 : i32
    %eq3A_8 = arith.cmpi eq, %arg0, %eq3A_7 : i32
    %convert_element_type3A_9 = arith.extui %eq3A_8 : i1 to i32
    %cond3A_10 = arith.constant 0 : i32
    %cond3A_11 = arith.cmpi ne, %convert_element_type3A_9, %cond3A_10 : i32
    scf.if %cond3A_11 {
      %lt3A_382 = arith.constant 15 : i32
      %lt3A_383 = arith.cmpi slt, %arg1, %lt3A_382 : i32
      %convert_element_type3A_384 = arith.extui %lt3A_383 : i1 to i32
      %cond3A_385 = arith.constant 0 : i32
      %cond3A_386 = arith.cmpi ne, %convert_element_type3A_384, %cond3A_385 : i32
      scf.if %cond3A_386 {
        %mul3A_392 = arith.constant 632 : i32
        %mul3A_393 = arith.muli %arg1, %mul3A_392 : i32
        %mul3A_394 = arith.constant 632 : i32
        %mul3A_395 = arith.muli %arg1, %mul3A_394 : i32
        "tpu.region"() ({
          %run_scoped3A = tpu.sem_alloc : memref<!tpu.dma_semaphore, #tpu.memory_space<semaphore_mem>>
          %dma_start3A_396 = arith.constant 0 : i32
          %dma_start3A_397 = tpu.memref_slice %arg12[%mul3A_395, %dma_start3A_396] : memref<10000x128xf32, #tpu.memory_space<vmem_shared>> -> memref<632x128xf32, #tpu.memory_space<vmem_shared>>
          %dma_start3A_398 = arith.constant 0 : i32
          %dma_start3A_399 = tpu.memref_slice %arg3[%mul3A_393, %dma_start3A_398] : memref<10000x128xf32, #tpu.memory_space<hbm>> -> memref<632x128xf32, #tpu.memory_space<hbm>>
          tpu.enqueue_dma source(%dma_start3A_399 : memref<632x128xf32, #tpu.memory_space<hbm>>) target(%dma_start3A_397 : memref<632x128xf32, #tpu.memory_space<vmem_shared>>) target_semaphore(%run_scoped3A : memref<!tpu.dma_semaphore, #tpu.memory_space<semaphore_mem>>)
          %dma_wait3A_400 = arith.constant 0 : i32
          %dma_wait3A_401 = tpu.memref_slice %arg12[%mul3A_395, %dma_wait3A_400] : memref<10000x128xf32, #tpu.memory_space<vmem_shared>> -> memref<632x128xf32, #tpu.memory_space<vmem_shared>>
          %dma_wait3A_402 = arith.constant 0 : i32
          %dma_wait3A_403 = tpu.memref_slice %arg3[%mul3A_393, %dma_wait3A_402] : memref<10000x128xf32, #tpu.memory_space<hbm>> -> memref<632x128xf32, #tpu.memory_space<hbm>>
          tpu.wait_dma2 semaphore(%run_scoped3A : memref<!tpu.dma_semaphore, #tpu.memory_space<semaphore_mem>>) src(%dma_wait3A_403 : memref<632x128xf32, #tpu.memory_space<hbm>>) dst(%dma_wait3A_401 : memref<632x128xf32, #tpu.memory_space<vmem_shared>>)
          tpu.yield
        }) : () -> ()
      } else {
      }
      %eq3A_387 = arith.constant 15 : i32
      %eq3A_388 = arith.cmpi eq, %arg1, %eq3A_387 : i32
      %convert_element_type3A_389 = arith.extui %eq3A_388 : i1 to i32
      %cond3A_390 = arith.constant 0 : i32
      %cond3A_391 = arith.cmpi ne, %convert_element_type3A_389, %cond3A_390 : i32
      scf.if %cond3A_391 {
        "tpu.region"() ({
          %run_scoped3A = tpu.sem_alloc : memref<!tpu.dma_semaphore, #tpu.memory_space<semaphore_mem>>
          %dma_start3A_392 = arith.constant 9480 : i32
          %dma_start3A_393 = arith.constant 0 : i32
          %dma_start3A_394 = tpu.memref_slice %arg12[%dma_start3A_392, %dma_start3A_393] : memref<10000x128xf32, #tpu.memory_space<vmem_shared>> -> memref<520x128xf32, #tpu.memory_space<vmem_shared>>
          %dma_start3A_395 = arith.constant 9480 : i32
          %dma_start3A_396 = arith.constant 0 : i32
          %dma_start3A_397 = tpu.memref_slice %arg3[%dma_start3A_395, %dma_start3A_396] : memref<10000x128xf32, #tpu.memory_space<hbm>> -> memref<520x128xf32, #tpu.memory_space<hbm>>
          tpu.enqueue_dma source(%dma_start3A_397 : memref<520x128xf32, #tpu.memory_space<hbm>>) target(%dma_start3A_394 : memref<520x128xf32, #tpu.memory_space<vmem_shared>>) target_semaphore(%run_scoped3A : memref<!tpu.dma_semaphore, #tpu.memory_space<semaphore_mem>>)
          %dma_wait3A_398 = arith.constant 9480 : i32
          %dma_wait3A_399 = arith.constant 0 : i32
          %dma_wait3A_400 = tpu.memref_slice %arg12[%dma_wait3A_398, %dma_wait3A_399] : memref<10000x128xf32, #tpu.memory_space<vmem_shared>> -> memref<520x128xf32, #tpu.memory_space<vmem_shared>>
          %dma_wait3A_401 = arith.constant 9480 : i32
          %dma_wait3A_402 = arith.constant 0 : i32
          %dma_wait3A_403 = tpu.memref_slice %arg3[%dma_wait3A_401, %dma_wait3A_402] : memref<10000x128xf32, #tpu.memory_space<hbm>> -> memref<520x128xf32, #tpu.memory_space<hbm>>
          tpu.wait_dma2 semaphore(%run_scoped3A : memref<!tpu.dma_semaphore, #tpu.memory_space<semaphore_mem>>) src(%dma_wait3A_403 : memref<520x128xf32, #tpu.memory_space<hbm>>) dst(%dma_wait3A_400 : memref<520x128xf32, #tpu.memory_space<vmem_shared>>)
          tpu.yield
        }) : () -> ()
      } else {
      }
    } else {
    }
    %eq3A_12 = arith.constant 1 : i32
    %eq3A_13 = arith.cmpi eq, %arg0, %eq3A_12 : i32
    %eq3A_14 = arith.constant 0 : i32
    %eq3A_15 = arith.cmpi eq, %arg1, %eq3A_14 : i32
    %and3A = arith.andi %eq3A_13, %eq3A_15 : i1
    %convert_element_type3A_16 = arith.extui %and3A : i1 to i32
    %cond3A_17 = arith.constant 0 : i32
    %cond3A_18 = arith.cmpi ne, %convert_element_type3A_16, %cond3A_17 : i32
    scf.if %cond3A_18 {
      "tpu.region"() ({
        %run_scoped3A = tpu.sem_alloc : memref<!tpu.dma_semaphore, #tpu.memory_space<semaphore_mem>>
        %dma_start3A_382 = arith.constant 0 : i32
        %dma_start3A_383 = arith.constant 0 : i32
        %dma_start3A_384 = tpu.memref_slice %arg12[%dma_start3A_382, %dma_start3A_383] : memref<10000x128xf32, #tpu.memory_space<vmem_shared>> -> memref<128x128xf32, #tpu.memory_space<vmem_shared>>
        tpu.enqueue_dma source(%arg4 : memref<128x128xf32, #tpu.memory_space<hbm>>) target(%dma_start3A_384 : memref<128x128xf32, #tpu.memory_space<vmem_shared>>) target_semaphore(%run_scoped3A : memref<!tpu.dma_semaphore, #tpu.memory_space<semaphore_mem>>)
        %dma_wait3A_385 = arith.constant 0 : i32
        %dma_wait3A_386 = arith.constant 0 : i32
        %dma_wait3A_387 = tpu.memref_slice %arg12[%dma_wait3A_385, %dma_wait3A_386] : memref<10000x128xf32, #tpu.memory_space<vmem_shared>> -> memref<128x128xf32, #tpu.memory_space<vmem_shared>>
        tpu.wait_dma2 semaphore(%run_scoped3A : memref<!tpu.dma_semaphore, #tpu.memory_space<semaphore_mem>>) src(%arg4 : memref<128x128xf32, #tpu.memory_space<hbm>>) dst(%dma_wait3A_387 : memref<128x128xf32, #tpu.memory_space<vmem_shared>>)
        tpu.yield
      }) : () -> ()
    } else {
    }
    %barrier3A = arith.constant 0 : index
    tpu.barrier barrier_id(%barrier3A)
    %eq3A_19 = arith.constant 1 : i32
    %eq3A_20 = arith.cmpi eq, %arg0, %eq3A_19 : i32
    %convert_element_type3A_21 = arith.extui %eq3A_20 : i1 to i32
    %cond3A_22 = arith.constant 0 : i32
    %cond3A_23 = arith.cmpi ne, %convert_element_type3A_21, %cond3A_22 : i32
    scf.if %cond3A_23 {
      %gt3A = arith.constant 0 : i32
      %gt3A_382 = arith.cmpi sgt, %arg1, %gt3A : i32
      %or3A = arith.constant false
      %or3A_383 = arith.ori %gt3A_382, %or3A : i1
      %convert_element_type3A_384 = arith.extui %or3A_383 : i1 to i32
      %cond3A_385 = arith.constant 0 : i32
      %cond3A_386 = arith.cmpi ne, %convert_element_type3A_384, %cond3A_385 : i32
      scf.if %cond3A_386 {
        %mul3A_418 = arith.constant 632 : i32
        %mul3A_419 = arith.muli %arg1, %mul3A_418 : i32
        %add3A_420 = arith.constant 0 : i32
        %add3A_421 = arith.addi %mul3A_419, %add3A_420 : i32
        "tpu.region"() ({
          %run_scoped3A = tpu.sem_alloc : memref<!tpu.dma_semaphore, #tpu.memory_space<semaphore_mem>>
          %dma_start3A_422 = arith.constant 0 : i32
          %dma_start3A_423 = tpu.memref_slice %arg12[%add3A_421, %dma_start3A_422] : memref<10000x128xf32, #tpu.memory_space<vmem_shared>> -> memref<128x128xf32, #tpu.memory_space<vmem_shared>>
          %dma_start3A_424 = arith.constant 0 : i32
          %dma_start3A_425 = arith.constant 0 : i32
          %dma_start3A_426 = tpu.memref_slice %arg12[%dma_start3A_424, %dma_start3A_425] : memref<10000x128xf32, #tpu.memory_space<vmem_shared>> -> memref<128x128xf32, #tpu.memory_space<vmem_shared>>
          tpu.enqueue_dma source(%dma_start3A_426 : memref<128x128xf32, #tpu.memory_space<vmem_shared>>) target(%dma_start3A_423 : memref<128x128xf32, #tpu.memory_space<vmem_shared>>) target_semaphore(%run_scoped3A : memref<!tpu.dma_semaphore, #tpu.memory_space<semaphore_mem>>)
          %dma_wait3A_427 = arith.constant 0 : i32
          %dma_wait3A_428 = tpu.memref_slice %arg12[%add3A_421, %dma_wait3A_427] : memref<10000x128xf32, #tpu.memory_space<vmem_shared>> -> memref<128x128xf32, #tpu.memory_space<vmem_shared>>
          %dma_wait3A_429 = arith.constant 0 : i32
          %dma_wait3A_430 = arith.constant 0 : i32
          %dma_wait3A_431 = tpu.memref_slice %arg12[%dma_wait3A_429, %dma_wait3A_430] : memref<10000x128xf32, #tpu.memory_space<vmem_shared>> -> memref<128x128xf32, #tpu.memory_space<vmem_shared>>
          tpu.wait_dma2 semaphore(%run_scoped3A : memref<!tpu.dma_semaphore, #tpu.memory_space<semaphore_mem>>) src(%dma_wait3A_431 : memref<128x128xf32, #tpu.memory_space<vmem_shared>>) dst(%dma_wait3A_428 : memref<128x128xf32, #tpu.memory_space<vmem_shared>>)
          tpu.yield
        }) : () -> ()
      } else {
      }
      %gt3A_387 = arith.constant 0 : i32
      %gt3A_388 = arith.cmpi sgt, %arg1, %gt3A_387 : i32
      %or3A_389 = arith.constant true
      %or3A_390 = arith.ori %gt3A_388, %or3A_389 : i1
      %convert_element_type3A_391 = arith.extui %or3A_390 : i1 to i32
      %cond3A_392 = arith.constant 0 : i32
      %cond3A_393 = arith.cmpi ne, %convert_element_type3A_391, %cond3A_392 : i32
      scf.if %cond3A_393 {
        %mul3A_418 = arith.constant 632 : i32
        %mul3A_419 = arith.muli %arg1, %mul3A_418 : i32
        %add3A_420 = arith.constant 128 : i32
        %add3A_421 = arith.addi %mul3A_419, %add3A_420 : i32
        "tpu.region"() ({
          %run_scoped3A = tpu.sem_alloc : memref<!tpu.dma_semaphore, #tpu.memory_space<semaphore_mem>>
          %dma_start3A_422 = arith.constant 0 : i32
          %dma_start3A_423 = tpu.memref_slice %arg12[%add3A_421, %dma_start3A_422] : memref<10000x128xf32, #tpu.memory_space<vmem_shared>> -> memref<128x128xf32, #tpu.memory_space<vmem_shared>>
          %dma_start3A_424 = arith.constant 0 : i32
          %dma_start3A_425 = arith.constant 0 : i32
          %dma_start3A_426 = tpu.memref_slice %arg12[%dma_start3A_424, %dma_start3A_425] : memref<10000x128xf32, #tpu.memory_space<vmem_shared>> -> memref<128x128xf32, #tpu.memory_space<vmem_shared>>
          tpu.enqueue_dma source(%dma_start3A_426 : memref<128x128xf32, #tpu.memory_space<vmem_shared>>) target(%dma_start3A_423 : memref<128x128xf32, #tpu.memory_space<vmem_shared>>) target_semaphore(%run_scoped3A : memref<!tpu.dma_semaphore, #tpu.memory_space<semaphore_mem>>)
          %dma_wait3A_427 = arith.constant 0 : i32
          %dma_wait3A_428 = tpu.memref_slice %arg12[%add3A_421, %dma_wait3A_427] : memref<10000x128xf32, #tpu.memory_space<vmem_shared>> -> memref<128x128xf32, #tpu.memory_space<vmem_shared>>
          %dma_wait3A_429 = arith.constant 0 : i32
          %dma_wait3A_430 = arith.constant 0 : i32
          %dma_wait3A_431 = tpu.memref_slice %arg12[%dma_wait3A_429, %dma_wait3A_430] : memref<10000x128xf32, #tpu.memory_space<vmem_shared>> -> memref<128x128xf32, #tpu.memory_space<vmem_shared>>
          tpu.wait_dma2 semaphore(%run_scoped3A : memref<!tpu.dma_semaphore, #tpu.memory_space<semaphore_mem>>) src(%dma_wait3A_431 : memref<128x128xf32, #tpu.memory_space<vmem_shared>>) dst(%dma_wait3A_428 : memref<128x128xf32, #tpu.memory_space<vmem_shared>>)
          tpu.yield
        }) : () -> ()
      } else {
      }
      %gt3A_394 = arith.constant 0 : i32
      %gt3A_395 = arith.cmpi sgt, %arg1, %gt3A_394 : i32
      %or3A_396 = arith.constant true
      %or3A_397 = arith.ori %gt3A_395, %or3A_396 : i1
      %convert_element_type3A_398 = arith.extui %or3A_397 : i1 to i32
      %cond3A_399 = arith.constant 0 : i32
      %cond3A_400 = arith.cmpi ne, %convert_element_type3A_398, %cond3A_399 : i32
      scf.if %cond3A_400 {
        %mul3A_418 = arith.constant 632 : i32
        %mul3A_419 = arith.muli %arg1, %mul3A_418 : i32
        %add3A_420 = arith.constant 256 : i32
        %add3A_421 = arith.addi %mul3A_419, %add3A_420 : i32
        "tpu.region"() ({
          %run_scoped3A = tpu.sem_alloc : memref<!tpu.dma_semaphore, #tpu.memory_space<semaphore_mem>>
          %dma_start3A_422 = arith.constant 0 : i32
          %dma_start3A_423 = tpu.memref_slice %arg12[%add3A_421, %dma_start3A_422] : memref<10000x128xf32, #tpu.memory_space<vmem_shared>> -> memref<128x128xf32, #tpu.memory_space<vmem_shared>>
          %dma_start3A_424 = arith.constant 0 : i32
          %dma_start3A_425 = arith.constant 0 : i32
          %dma_start3A_426 = tpu.memref_slice %arg12[%dma_start3A_424, %dma_start3A_425] : memref<10000x128xf32, #tpu.memory_space<vmem_shared>> -> memref<128x128xf32, #tpu.memory_space<vmem_shared>>
          tpu.enqueue_dma source(%dma_start3A_426 : memref<128x128xf32, #tpu.memory_space<vmem_shared>>) target(%dma_start3A_423 : memref<128x128xf32, #tpu.memory_space<vmem_shared>>) target_semaphore(%run_scoped3A : memref<!tpu.dma_semaphore, #tpu.memory_space<semaphore_mem>>)
          %dma_wait3A_427 = arith.constant 0 : i32
          %dma_wait3A_428 = tpu.memref_slice %arg12[%add3A_421, %dma_wait3A_427] : memref<10000x128xf32, #tpu.memory_space<vmem_shared>> -> memref<128x128xf32, #tpu.memory_space<vmem_shared>>
          %dma_wait3A_429 = arith.constant 0 : i32
          %dma_wait3A_430 = arith.constant 0 : i32
          %dma_wait3A_431 = tpu.memref_slice %arg12[%dma_wait3A_429, %dma_wait3A_430] : memref<10000x128xf32, #tpu.memory_space<vmem_shared>> -> memref<128x128xf32, #tpu.memory_space<vmem_shared>>
          tpu.wait_dma2 semaphore(%run_scoped3A : memref<!tpu.dma_semaphore, #tpu.memory_space<semaphore_mem>>) src(%dma_wait3A_431 : memref<128x128xf32, #tpu.memory_space<vmem_shared>>) dst(%dma_wait3A_428 : memref<128x128xf32, #tpu.memory_space<vmem_shared>>)
          tpu.yield
        }) : () -> ()
      } else {
      }
      %gt3A_401 = arith.constant 0 : i32
      %gt3A_402 = arith.cmpi sgt, %arg1, %gt3A_401 : i32
      %or3A_403 = arith.constant true
      %or3A_404 = arith.ori %gt3A_402, %or3A_403 : i1
      %convert_element_type3A_405 = arith.extui %or3A_404 : i1 to i32
      %cond3A_406 = arith.constant 0 : i32
      %cond3A_407 = arith.cmpi ne, %convert_element_type3A_405, %cond3A_406 : i32
      scf.if %cond3A_407 {
        %mul3A_418 = arith.constant 632 : i32
        %mul3A_419 = arith.muli %arg1, %mul3A_418 : i32
        %add3A_420 = arith.constant 384 : i32
        %add3A_421 = arith.addi %mul3A_419, %add3A_420 : i32
        "tpu.region"() ({
          %run_scoped3A = tpu.sem_alloc : memref<!tpu.dma_semaphore, #tpu.memory_space<semaphore_mem>>
          %dma_start3A_422 = arith.constant 0 : i32
          %dma_start3A_423 = tpu.memref_slice %arg12[%add3A_421, %dma_start3A_422] : memref<10000x128xf32, #tpu.memory_space<vmem_shared>> -> memref<128x128xf32, #tpu.memory_space<vmem_shared>>
          %dma_start3A_424 = arith.constant 0 : i32
          %dma_start3A_425 = arith.constant 0 : i32
          %dma_start3A_426 = tpu.memref_slice %arg12[%dma_start3A_424, %dma_start3A_425] : memref<10000x128xf32, #tpu.memory_space<vmem_shared>> -> memref<128x128xf32, #tpu.memory_space<vmem_shared>>
          tpu.enqueue_dma source(%dma_start3A_426 : memref<128x128xf32, #tpu.memory_space<vmem_shared>>) target(%dma_start3A_423 : memref<128x128xf32, #tpu.memory_space<vmem_shared>>) target_semaphore(%run_scoped3A : memref<!tpu.dma_semaphore, #tpu.memory_space<semaphore_mem>>)
          %dma_wait3A_427 = arith.constant 0 : i32
          %dma_wait3A_428 = tpu.memref_slice %arg12[%add3A_421, %dma_wait3A_427] : memref<10000x128xf32, #tpu.memory_space<vmem_shared>> -> memref<128x128xf32, #tpu.memory_space<vmem_shared>>
          %dma_wait3A_429 = arith.constant 0 : i32
          %dma_wait3A_430 = arith.constant 0 : i32
          %dma_wait3A_431 = tpu.memref_slice %arg12[%dma_wait3A_429, %dma_wait3A_430] : memref<10000x128xf32, #tpu.memory_space<vmem_shared>> -> memref<128x128xf32, #tpu.memory_space<vmem_shared>>
          tpu.wait_dma2 semaphore(%run_scoped3A : memref<!tpu.dma_semaphore, #tpu.memory_space<semaphore_mem>>) src(%dma_wait3A_431 : memref<128x128xf32, #tpu.memory_space<vmem_shared>>) dst(%dma_wait3A_428 : memref<128x128xf32, #tpu.memory_space<vmem_shared>>)
          tpu.yield
        }) : () -> ()
      } else {
      }
      %lt3A_408 = arith.constant 15 : i32
      %lt3A_409 = arith.cmpi slt, %arg1, %lt3A_408 : i32
      %convert_element_type3A_410 = arith.extui %lt3A_409 : i1 to i32
      %cond3A_411 = arith.constant 0 : i32
      %cond3A_412 = arith.cmpi ne, %convert_element_type3A_410, %cond3A_411 : i32
      scf.if %cond3A_412 {
        %mul3A_418 = arith.constant 632 : i32
        %mul3A_419 = arith.muli %arg1, %mul3A_418 : i32
        %add3A_420 = arith.constant 512 : i32
        %add3A_421 = arith.addi %mul3A_419, %add3A_420 : i32
        "tpu.region"() ({
          %run_scoped3A = tpu.sem_alloc : memref<!tpu.dma_semaphore, #tpu.memory_space<semaphore_mem>>
          %dma_start3A_422 = arith.constant 0 : i32
          %dma_start3A_423 = tpu.memref_slice %arg12[%add3A_421, %dma_start3A_422] : memref<10000x128xf32, #tpu.memory_space<vmem_shared>> -> memref<120x128xf32, #tpu.memory_space<vmem_shared>>
          %dma_start3A_424 = arith.constant 0 : i32
          %dma_start3A_425 = arith.constant 0 : i32
          %dma_start3A_426 = tpu.memref_slice %arg12[%dma_start3A_424, %dma_start3A_425] : memref<10000x128xf32, #tpu.memory_space<vmem_shared>> -> memref<120x128xf32, #tpu.memory_space<vmem_shared>>
          tpu.enqueue_dma source(%dma_start3A_426 : memref<120x128xf32, #tpu.memory_space<vmem_shared>>) target(%dma_start3A_423 : memref<120x128xf32, #tpu.memory_space<vmem_shared>>) target_semaphore(%run_scoped3A : memref<!tpu.dma_semaphore, #tpu.memory_space<semaphore_mem>>)
          %dma_wait3A_427 = arith.constant 0 : i32
          %dma_wait3A_428 = tpu.memref_slice %arg12[%add3A_421, %dma_wait3A_427] : memref<10000x128xf32, #tpu.memory_space<vmem_shared>> -> memref<120x128xf32, #tpu.memory_space<vmem_shared>>
          %dma_wait3A_429 = arith.constant 0 : i32
          %dma_wait3A_430 = arith.constant 0 : i32
          %dma_wait3A_431 = tpu.memref_slice %arg12[%dma_wait3A_429, %dma_wait3A_430] : memref<10000x128xf32, #tpu.memory_space<vmem_shared>> -> memref<120x128xf32, #tpu.memory_space<vmem_shared>>
          tpu.wait_dma2 semaphore(%run_scoped3A : memref<!tpu.dma_semaphore, #tpu.memory_space<semaphore_mem>>) src(%dma_wait3A_431 : memref<120x128xf32, #tpu.memory_space<vmem_shared>>) dst(%dma_wait3A_428 : memref<120x128xf32, #tpu.memory_space<vmem_shared>>)
          tpu.yield
        }) : () -> ()
      } else {
      }
      %eq3A_413 = arith.constant 15 : i32
      %eq3A_414 = arith.cmpi eq, %arg1, %eq3A_413 : i32
      %convert_element_type3A_415 = arith.extui %eq3A_414 : i1 to i32
      %cond3A_416 = arith.constant 0 : i32
      %cond3A_417 = arith.cmpi ne, %convert_element_type3A_415, %cond3A_416 : i32
      scf.if %cond3A_417 {
        "tpu.region"() ({
          %run_scoped3A = tpu.sem_alloc : memref<!tpu.dma_semaphore, #tpu.memory_space<semaphore_mem>>
          %dma_start3A_418 = arith.constant 9992 : i32
          %dma_start3A_419 = arith.constant 0 : i32
          %dma_start3A_420 = tpu.memref_slice %arg12[%dma_start3A_418, %dma_start3A_419] : memref<10000x128xf32, #tpu.memory_space<vmem_shared>> -> memref<8x128xf32, #tpu.memory_space<vmem_shared>>
          %dma_start3A_421 = arith.constant 0 : i32
          %dma_start3A_422 = arith.constant 0 : i32
          %dma_start3A_423 = tpu.memref_slice %arg12[%dma_start3A_421, %dma_start3A_422] : memref<10000x128xf32, #tpu.memory_space<vmem_shared>> -> memref<8x128xf32, #tpu.memory_space<vmem_shared>>
          tpu.enqueue_dma source(%dma_start3A_423 : memref<8x128xf32, #tpu.memory_space<vmem_shared>>) target(%dma_start3A_420 : memref<8x128xf32, #tpu.memory_space<vmem_shared>>) target_semaphore(%run_scoped3A : memref<!tpu.dma_semaphore, #tpu.memory_space<semaphore_mem>>)
          %dma_wait3A_424 = arith.constant 9992 : i32
          %dma_wait3A_425 = arith.constant 0 : i32
          %dma_wait3A_426 = tpu.memref_slice %arg12[%dma_wait3A_424, %dma_wait3A_425] : memref<10000x128xf32, #tpu.memory_space<vmem_shared>> -> memref<8x128xf32, #tpu.memory_space<vmem_shared>>
          %dma_wait3A_427 = arith.constant 0 : i32
          %dma_wait3A_428 = arith.constant 0 : i32
          %dma_wait3A_429 = tpu.memref_slice %arg12[%dma_wait3A_427, %dma_wait3A_428] : memref<10000x128xf32, #tpu.memory_space<vmem_shared>> -> memref<8x128xf32, #tpu.memory_space<vmem_shared>>
          tpu.wait_dma2 semaphore(%run_scoped3A : memref<!tpu.dma_semaphore, #tpu.memory_space<semaphore_mem>>) src(%dma_wait3A_429 : memref<8x128xf32, #tpu.memory_space<vmem_shared>>) dst(%dma_wait3A_426 : memref<8x128xf32, #tpu.memory_space<vmem_shared>>)
          tpu.yield
        }) : () -> ()
      } else {
      }
    } else {
    }
    %dma_start3A = arith.constant 0 : i32
    %dma_start3A_24 = arith.constant 0 : i32
    %dma_start3A_25 = arith.constant 0 : i32
    %dma_start3A_26 = arith.constant 0 : i32
    %dma_start3A_27 = tpu.memref_slice %arg8[%dma_start3A, %dma_start3A_24, %dma_start3A_25, %dma_start3A_26] : memref<2x1x4x32xi32, #tpu.memory_space<vmem>> -> memref<1x1x4x32xi32, #tpu.memory_space<vmem>>
    %dma_start3A_28 = tpu.memref_squeeze %dma_start3A_27 : memref<1x1x4x32xi32, #tpu.memory_space<vmem>> -> memref<1x4x32xi32, #tpu.memory_space<vmem>>
    %dma_start3A_29 = arith.constant 0 : i32
    %dma_start3A_30 = arith.constant 0 : i32
    %dma_start3A_31 = tpu.memref_slice %arg5[%mul3A_0, %dma_start3A_29, %dma_start3A_30] : memref<2512x4x32xi32, #tpu.memory_space<hbm>> -> memref<1x4x32xi32, #tpu.memory_space<hbm>>
    %dma_start3A_32 = arith.constant 0 : i32
    %dma_start3A_33 = arith.constant 0 : i32
    %dma_start3A_34 = arith.constant 0 : i32
    %dma_start3A_35 = tpu.memref_slice %arg8[%dma_start3A, %dma_start3A_32, %dma_start3A_33, %dma_start3A_34] : memref<2x1x4x32xi32, #tpu.memory_space<vmem>> -> memref<1x1x4x32xi32, #tpu.memory_space<vmem>>
    %dma_start3A_36 = tpu.memref_squeeze %dma_start3A_35 : memref<1x1x4x32xi32, #tpu.memory_space<vmem>> -> memref<1x4x32xi32, #tpu.memory_space<vmem>>
    %dma_start3A_37 = arith.constant 0 : i32
    %dma_start3A_38 = arith.constant 0 : i32
    %dma_start3A_39 = tpu.memref_slice %arg5[%mul3A_0, %dma_start3A_37, %dma_start3A_38] : memref<2512x4x32xi32, #tpu.memory_space<hbm>> -> memref<1x4x32xi32, #tpu.memory_space<hbm>>
    tpu.enqueue_dma source(%dma_start3A_39 : memref<1x4x32xi32, #tpu.memory_space<hbm>>) target(%dma_start3A_36 : memref<1x4x32xi32, #tpu.memory_space<vmem>>) target_semaphore(%arg15 : memref<!tpu.dma_semaphore, #tpu.memory_space<semaphore_mem>>)
    %dma_start3A_40 = arith.constant 0 : i32
    %dma_start3A_41 = arith.constant 0 : i32
    %dma_start3A_42 = arith.constant 0 : i32
    %dma_start3A_43 = arith.constant 0 : i32
    %dma_start3A_44 = tpu.memref_slice %arg9[%dma_start3A_40, %dma_start3A_41, %dma_start3A_42, %dma_start3A_43] : memref<2x1x4x32xi32, #tpu.memory_space<vmem>> -> memref<1x1x4x32xi32, #tpu.memory_space<vmem>>
    %dma_start3A_45 = tpu.memref_squeeze %dma_start3A_44 : memref<1x1x4x32xi32, #tpu.memory_space<vmem>> -> memref<1x4x32xi32, #tpu.memory_space<vmem>>
    %dma_start3A_46 = arith.constant 0 : i32
    %dma_start3A_47 = arith.constant 0 : i32
    %dma_start3A_48 = tpu.memref_slice %arg6[%mul3A_0, %dma_start3A_46, %dma_start3A_47] : memref<2512x4x32xi32, #tpu.memory_space<hbm>> -> memref<1x4x32xi32, #tpu.memory_space<hbm>>
    %dma_start3A_49 = arith.constant 0 : i32
    %dma_start3A_50 = arith.constant 0 : i32
    %dma_start3A_51 = arith.constant 0 : i32
    %dma_start3A_52 = tpu.memref_slice %arg9[%dma_start3A_40, %dma_start3A_49, %dma_start3A_50, %dma_start3A_51] : memref<2x1x4x32xi32, #tpu.memory_space<vmem>> -> memref<1x1x4x32xi32, #tpu.memory_space<vmem>>
    %dma_start3A_53 = tpu.memref_squeeze %dma_start3A_52 : memref<1x1x4x32xi32, #tpu.memory_space<vmem>> -> memref<1x4x32xi32, #tpu.memory_space<vmem>>
    %dma_start3A_54 = arith.constant 0 : i32
    %dma_start3A_55 = arith.constant 0 : i32
    %dma_start3A_56 = tpu.memref_slice %arg6[%mul3A_0, %dma_start3A_54, %dma_start3A_55] : memref<2512x4x32xi32, #tpu.memory_space<hbm>> -> memref<1x4x32xi32, #tpu.memory_space<hbm>>
    tpu.enqueue_dma source(%dma_start3A_56 : memref<1x4x32xi32, #tpu.memory_space<hbm>>) target(%dma_start3A_53 : memref<1x4x32xi32, #tpu.memory_space<vmem>>) target_semaphore(%arg15 : memref<!tpu.dma_semaphore, #tpu.memory_space<semaphore_mem>>)
    %barrier3A_57 = arith.constant 0 : index
    tpu.barrier barrier_id(%barrier3A_57)
    %mul3A_58 = arith.constant 5000 : i32
    %mul3A_59 = arith.muli %arg0, %mul3A_58 : i32
    %dma_wait3A = arith.constant 0 : i32
    %dma_wait3A_60 = arith.constant 0 : i32
    %dma_wait3A_61 = arith.constant 0 : i32
    %dma_wait3A_62 = arith.constant 0 : i32
    %dma_wait3A_63 = tpu.memref_slice %arg8[%dma_wait3A, %dma_wait3A_60, %dma_wait3A_61, %dma_wait3A_62] : memref<2x1x4x32xi32, #tpu.memory_space<vmem>> -> memref<1x1x4x32xi32, #tpu.memory_space<vmem>>
    %dma_wait3A_64 = tpu.memref_squeeze %dma_wait3A_63 : memref<1x1x4x32xi32, #tpu.memory_space<vmem>> -> memref<1x4x32xi32, #tpu.memory_space<vmem>>
    %dma_wait3A_65 = arith.constant 0 : i32
    %dma_wait3A_66 = arith.constant 0 : i32
    %dma_wait3A_67 = arith.constant 0 : i32
    %dma_wait3A_68 = tpu.memref_slice %arg5[%dma_wait3A_65, %dma_wait3A_66, %dma_wait3A_67] : memref<2512x4x32xi32, #tpu.memory_space<hbm>> -> memref<1x4x32xi32, #tpu.memory_space<hbm>>
    %dma_wait3A_69 = arith.constant 0 : i32
    %dma_wait3A_70 = arith.constant 0 : i32
    %dma_wait3A_71 = arith.constant 0 : i32
    %dma_wait3A_72 = tpu.memref_slice %arg8[%dma_wait3A, %dma_wait3A_69, %dma_wait3A_70, %dma_wait3A_71] : memref<2x1x4x32xi32, #tpu.memory_space<vmem>> -> memref<1x1x4x32xi32, #tpu.memory_space<vmem>>
    %dma_wait3A_73 = tpu.memref_squeeze %dma_wait3A_72 : memref<1x1x4x32xi32, #tpu.memory_space<vmem>> -> memref<1x4x32xi32, #tpu.memory_space<vmem>>
    %dma_wait3A_74 = arith.constant 0 : i32
    %dma_wait3A_75 = arith.constant 0 : i32
    %dma_wait3A_76 = arith.constant 0 : i32
    %dma_wait3A_77 = tpu.memref_slice %arg5[%dma_wait3A_74, %dma_wait3A_75, %dma_wait3A_76] : memref<2512x4x32xi32, #tpu.memory_space<hbm>> -> memref<1x4x32xi32, #tpu.memory_space<hbm>>
    tpu.wait_dma2 semaphore(%arg15 : memref<!tpu.dma_semaphore, #tpu.memory_space<semaphore_mem>>) src(%dma_wait3A_77 : memref<1x4x32xi32, #tpu.memory_space<hbm>>) dst(%dma_wait3A_73 : memref<1x4x32xi32, #tpu.memory_space<vmem>>)
    %dma_wait3A_78 = arith.constant 0 : i32
    %dma_wait3A_79 = arith.constant 0 : i32
    %dma_wait3A_80 = arith.constant 0 : i32
    %dma_wait3A_81 = arith.constant 0 : i32
    %dma_wait3A_82 = tpu.memref_slice %arg8[%dma_wait3A_78, %dma_wait3A_79, %dma_wait3A_80, %dma_wait3A_81] : memref<2x1x4x32xi32, #tpu.memory_space<vmem>> -> memref<1x1x4x32xi32, #tpu.memory_space<vmem>>
    %dma_wait3A_83 = tpu.memref_squeeze %dma_wait3A_82 : memref<1x1x4x32xi32, #tpu.memory_space<vmem>> -> memref<1x4x32xi32, #tpu.memory_space<vmem>>
    %dma_wait3A_84 = arith.constant 0 : i32
    %dma_wait3A_85 = arith.constant 0 : i32
    %dma_wait3A_86 = arith.constant 0 : i32
    %dma_wait3A_87 = tpu.memref_slice %arg5[%dma_wait3A_84, %dma_wait3A_85, %dma_wait3A_86] : memref<2512x4x32xi32, #tpu.memory_space<hbm>> -> memref<1x4x32xi32, #tpu.memory_space<hbm>>
    %dma_wait3A_88 = arith.constant 0 : i32
    %dma_wait3A_89 = arith.constant 0 : i32
    %dma_wait3A_90 = arith.constant 0 : i32
    %dma_wait3A_91 = tpu.memref_slice %arg8[%dma_wait3A_78, %dma_wait3A_88, %dma_wait3A_89, %dma_wait3A_90] : memref<2x1x4x32xi32, #tpu.memory_space<vmem>> -> memref<1x1x4x32xi32, #tpu.memory_space<vmem>>
    %dma_wait3A_92 = tpu.memref_squeeze %dma_wait3A_91 : memref<1x1x4x32xi32, #tpu.memory_space<vmem>> -> memref<1x4x32xi32, #tpu.memory_space<vmem>>
    %dma_wait3A_93 = arith.constant 0 : i32
    %dma_wait3A_94 = arith.constant 0 : i32
    %dma_wait3A_95 = arith.constant 0 : i32
    %dma_wait3A_96 = tpu.memref_slice %arg5[%dma_wait3A_93, %dma_wait3A_94, %dma_wait3A_95] : memref<2512x4x32xi32, #tpu.memory_space<hbm>> -> memref<1x4x32xi32, #tpu.memory_space<hbm>>
    tpu.wait_dma2 semaphore(%arg15 : memref<!tpu.dma_semaphore, #tpu.memory_space<semaphore_mem>>) src(%dma_wait3A_96 : memref<1x4x32xi32, #tpu.memory_space<hbm>>) dst(%dma_wait3A_92 : memref<1x4x32xi32, #tpu.memory_space<vmem>>)
    %get3A = arith.constant 0 : i32
    %get3A_97 = arith.constant 0 : i32
    %get3A_98 = arith.constant 0 : i32
    %get3A_99 = arith.index_cast %get3A : i32 to index
    %get3A_100 = arith.index_cast %get3A_97 : i32 to index
    %get3A_101 = arith.index_cast %get3A_98 : i32 to index
    %get3A_102 = arith.constant 0 : index
    %get3A_103 = tpu.vector_load %arg9[%get3A_99, %get3A_100, %get3A_101, %get3A_102] {strides = array<i32>} : memref<2x1x4x32xi32, #tpu.memory_space<vmem>>, vector<1x1x1x16xi32>,
    %get3A_104 = vector.shape_cast %get3A_103 : vector<1x1x1x16xi32> to vector<16xi32>
    %ge3A = vector.broadcast %mul3A_59 : i32 to vector<16xi32>
    %ge3A_105 = arith.cmpi sge, %get3A_104, %ge3A : vector<16xi32>
    %add3A = arith.constant 5000 : i32
    %add3A_106 = arith.addi %mul3A_59, %add3A : i32
    %lt3A_107 = vector.broadcast %add3A_106 : i32 to vector<16xi32>
    %lt3A_108 = arith.cmpi slt, %get3A_104, %lt3A_107 : vector<16xi32>
    %and3A_109 = arith.andi %ge3A_105, %lt3A_108 : vector<16xi1>
    %sub3A = vector.broadcast %mul3A_59 : i32 to vector<16xi32>
    %sub3A_110 = arith.subi %get3A_104, %sub3A : vector<16xi32>
    %jit3A = arith.constant 5000 : i32
    %broadcast_in_dim3A = vector.broadcast %jit3A : i32 to vector<16xi32>
    %select_n3A = arith.select %and3A_109, %sub3A_110, %broadcast_in_dim3A : vector<16xi1>, vector<16xi32>
    %swap3A = arith.constant 0 : i32
    %swap3A_111 = arith.constant 0 : i32
    %swap3A_112 = arith.constant 0 : i32
    %swap3A_113 = arith.index_cast %swap3A : i32 to index
    %swap3A_114 = arith.index_cast %swap3A_111 : i32 to index
    %swap3A_115 = arith.index_cast %swap3A_112 : i32 to index
    %swap3A_116 = arith.constant 0 : index
    %swap3A_117 = tpu.vector_load %arg9[%swap3A_113, %swap3A_114, %swap3A_115, %swap3A_116] {strides = array<i32>} : memref<2x1x4x32xi32, #tpu.memory_space<vmem>>, vector<1x1x1x16xi32>,
    %swap3A_118 = vector.shape_cast %swap3A_117 : vector<1x1x1x16xi32> to vector<16xi32>
    %swap3A_119 = vector.shape_cast %select_n3A : vector<16xi32> to vector<1x1x1x16xi32>
    tpu.vector_store %arg9[%swap3A_113, %swap3A_114, %swap3A_115, %swap3A_116], %swap3A_119 {strides = array<i32>} : memref<2x1x4x32xi32, #tpu.memory_space<vmem>>, vector<1x1x1x16xi32>,
    %get3A_120 = arith.constant 0 : i32
    %get3A_121 = arith.constant 0 : i32
    %get3A_122 = arith.constant 0 : i32
    %get3A_123 = arith.index_cast %get3A_120 : i32 to index
    %get3A_124 = arith.index_cast %get3A_121 : i32 to index
    %get3A_125 = arith.index_cast %get3A_122 : i32 to index
    %get3A_126 = arith.constant 16 : index
    %get3A_127 = tpu.vector_load %arg9[%get3A_123, %get3A_124, %get3A_125, %get3A_126] {strides = array<i32>} : memref<2x1x4x32xi32, #tpu.memory_space<vmem>>, vector<1x1x1x16xi32>,
    %get3A_128 = vector.shape_cast %get3A_127 : vector<1x1x1x16xi32> to vector<16xi32>
    %ge3A_129 = vector.broadcast %mul3A_59 : i32 to vector<16xi32>
    %ge3A_130 = arith.cmpi sge, %get3A_128, %ge3A_129 : vector<16xi32>
    %add3A_131 = arith.constant 5000 : i32
    %add3A_132 = arith.addi %mul3A_59, %add3A_131 : i32
    %lt3A_133 = vector.broadcast %add3A_132 : i32 to vector<16xi32>
    %lt3A_134 = arith.cmpi slt, %get3A_128, %lt3A_133 : vector<16xi32>
    %and3A_135 = arith.andi %ge3A_130, %lt3A_134 : vector<16xi1>
    %sub3A_136 = vector.broadcast %mul3A_59 : i32 to vector<16xi32>
    %sub3A_137 = arith.subi %get3A_128, %sub3A_136 : vector<16xi32>
    %jit3A_138 = arith.constant 5000 : i32
    %broadcast_in_dim3A_139 = vector.broadcast %jit3A_138 : i32 to vector<16xi32>
    %select_n3A_140 = arith.select %and3A_135, %sub3A_137, %broadcast_in_dim3A_139 : vector<16xi1>, vector<16xi32>
    %swap3A_141 = arith.constant 0 : i32
    %swap3A_142 = arith.constant 0 : i32
    %swap3A_143 = arith.constant 0 : i32
    %swap3A_144 = arith.index_cast %swap3A_141 : i32 to index
    %swap3A_145 = arith.index_cast %swap3A_142 : i32 to index
    %swap3A_146 = arith.index_cast %swap3A_143 : i32 to index
    %swap3A_147 = arith.constant 16 : index
    %swap3A_148 = tpu.vector_load %arg9[%swap3A_144, %swap3A_145, %swap3A_146, %swap3A_147] {strides = array<i32>} : memref<2x1x4x32xi32, #tpu.memory_space<vmem>>, vector<1x1x1x16xi32>,
    %swap3A_149 = vector.shape_cast %swap3A_148 : vector<1x1x1x16xi32> to vector<16xi32>
    %swap3A_150 = vector.shape_cast %select_n3A_140 : vector<16xi32> to vector<1x1x1x16xi32>
    tpu.vector_store %arg9[%swap3A_144, %swap3A_145, %swap3A_146, %swap3A_147], %swap3A_150 {strides = array<i32>} : memref<2x1x4x32xi32, #tpu.memory_space<vmem>>, vector<1x1x1x16xi32>,
    %get3A_151 = arith.constant 0 : i32
    %get3A_152 = arith.constant 0 : i32
    %get3A_153 = arith.constant 1 : i32
    %get3A_154 = arith.index_cast %get3A_151 : i32 to index
    %get3A_155 = arith.index_cast %get3A_152 : i32 to index
    %get3A_156 = arith.index_cast %get3A_153 : i32 to index
    %get3A_157 = arith.constant 0 : index
    %get3A_158 = tpu.vector_load %arg9[%get3A_154, %get3A_155, %get3A_156, %get3A_157] {strides = array<i32>} : memref<2x1x4x32xi32, #tpu.memory_space<vmem>>, vector<1x1x1x16xi32>,
    %get3A_159 = vector.shape_cast %get3A_158 : vector<1x1x1x16xi32> to vector<16xi32>
    %ge3A_160 = vector.broadcast %mul3A_59 : i32 to vector<16xi32>
    %ge3A_161 = arith.cmpi sge, %get3A_159, %ge3A_160 : vector<16xi32>
    %add3A_162 = arith.constant 5000 : i32
    %add3A_163 = arith.addi %mul3A_59, %add3A_162 : i32
    %lt3A_164 = vector.broadcast %add3A_163 : i32 to vector<16xi32>
    %lt3A_165 = arith.cmpi slt, %get3A_159, %lt3A_164 : vector<16xi32>
    %and3A_166 = arith.andi %ge3A_161, %lt3A_165 : vector<16xi1>
    %sub3A_167 = vector.broadcast %mul3A_59 : i32 to vector<16xi32>
    %sub3A_168 = arith.subi %get3A_159, %sub3A_167 : vector<16xi32>
    %jit3A_169 = arith.constant 5000 : i32
    %broadcast_in_dim3A_170 = vector.broadcast %jit3A_169 : i32 to vector<16xi32>
    %select_n3A_171 = arith.select %and3A_166, %sub3A_168, %broadcast_in_dim3A_170 : vector<16xi1>, vector<16xi32>
    %swap3A_172 = arith.constant 0 : i32
    %swap3A_173 = arith.constant 0 : i32
    %swap3A_174 = arith.constant 1 : i32
    %swap3A_175 = arith.index_cast %swap3A_172 : i32 to index
    %swap3A_176 = arith.index_cast %swap3A_173 : i32 to index
    %swap3A_177 = arith.index_cast %swap3A_174 : i32 to index
    %swap3A_178 = arith.constant 0 : index
    %swap3A_179 = tpu.vector_load %arg9[%swap3A_175, %swap3A_176, %swap3A_177, %swap3A_178] {strides = array<i32>} : memref<2x1x4x32xi32, #tpu.memory_space<vmem>>, vector<1x1x1x16xi32>,
    %swap3A_180 = vector.shape_cast %swap3A_179 : vector<1x1x1x16xi32> to vector<16xi32>
    %swap3A_181 = vector.shape_cast %select_n3A_171 : vector<16xi32> to vector<1x1x1x16xi32>
    tpu.vector_store %arg9[%swap3A_175, %swap3A_176, %swap3A_177, %swap3A_178], %swap3A_181 {strides = array<i32>} : memref<2x1x4x32xi32, #tpu.memory_space<vmem>>, vector<1x1x1x16xi32>,
    %get3A_182 = arith.constant 0 : i32
    %get3A_183 = arith.constant 0 : i32
    %get3A_184 = arith.constant 1 : i32
    %get3A_185 = arith.index_cast %get3A_182 : i32 to index
    %get3A_186 = arith.index_cast %get3A_183 : i32 to index
    %get3A_187 = arith.index_cast %get3A_184 : i32 to index
    %get3A_188 = arith.constant 16 : index
    %get3A_189 = tpu.vector_load %arg9[%get3A_185, %get3A_186, %get3A_187, %get3A_188] {strides = array<i32>} : memref<2x1x4x32xi32, #tpu.memory_space<vmem>>, vector<1x1x1x16xi32>,
    %get3A_190 = vector.shape_cast %get3A_189 : vector<1x1x1x16xi32> to vector<16xi32>
    %ge3A_191 = vector.broadcast %mul3A_59 : i32 to vector<16xi32>
    %ge3A_192 = arith.cmpi sge, %get3A_190, %ge3A_191 : vector<16xi32>
    %add3A_193 = arith.constant 5000 : i32
    %add3A_194 = arith.addi %mul3A_59, %add3A_193 : i32
    %lt3A_195 = vector.broadcast %add3A_194 : i32 to vector<16xi32>
    %lt3A_196 = arith.cmpi slt, %get3A_190, %lt3A_195 : vector<16xi32>
    %and3A_197 = arith.andi %ge3A_192, %lt3A_196 : vector<16xi1>
    %sub3A_198 = vector.broadcast %mul3A_59 : i32 to vector<16xi32>
    %sub3A_199 = arith.subi %get3A_190, %sub3A_198 : vector<16xi32>
    %jit3A_200 = arith.constant 5000 : i32
    %broadcast_in_dim3A_201 = vector.broadcast %jit3A_200 : i32 to vector<16xi32>
    %select_n3A_202 = arith.select %and3A_197, %sub3A_199, %broadcast_in_dim3A_201 : vector<16xi1>, vector<16xi32>
    %swap3A_203 = arith.constant 0 : i32
    %swap3A_204 = arith.constant 0 : i32
    %swap3A_205 = arith.constant 1 : i32
    %swap3A_206 = arith.index_cast %swap3A_203 : i32 to index
    %swap3A_207 = arith.index_cast %swap3A_204 : i32 to index
    %swap3A_208 = arith.index_cast %swap3A_205 : i32 to index
    %swap3A_209 = arith.constant 16 : index
    %swap3A_210 = tpu.vector_load %arg9[%swap3A_206, %swap3A_207, %swap3A_208, %swap3A_209] {strides = array<i32>} : memref<2x1x4x32xi32, #tpu.memory_space<vmem>>, vector<1x1x1x16xi32>,
    %swap3A_211 = vector.shape_cast %swap3A_210 : vector<1x1x1x16xi32> to vector<16xi32>
    %swap3A_212 = vector.shape_cast %select_n3A_202 : vector<16xi32> to vector<1x1x1x16xi32>
    tpu.vector_store %arg9[%swap3A_206, %swap3A_207, %swap3A_208, %swap3A_209], %swap3A_212 {strides = array<i32>} : memref<2x1x4x32xi32, #tpu.memory_space<vmem>>, vector<1x1x1x16xi32>,
    %get3A_213 = arith.constant 0 : i32
    %get3A_214 = arith.constant 0 : i32
    %get3A_215 = arith.constant 2 : i32
    %get3A_216 = arith.index_cast %get3A_213 : i32 to index
    %get3A_217 = arith.index_cast %get3A_214 : i32 to index
    %get3A_218 = arith.index_cast %get3A_215 : i32 to index
    %get3A_219 = arith.constant 0 : index
    %get3A_220 = tpu.vector_load %arg9[%get3A_216, %get3A_217, %get3A_218, %get3A_219] {strides = array<i32>} : memref<2x1x4x32xi32, #tpu.memory_space<vmem>>, vector<1x1x1x16xi32>,
    %get3A_221 = vector.shape_cast %get3A_220 : vector<1x1x1x16xi32> to vector<16xi32>
    %ge3A_222 = vector.broadcast %mul3A_59 : i32 to vector<16xi32>
    %ge3A_223 = arith.cmpi sge, %get3A_221, %ge3A_222 : vector<16xi32>
    %add3A_224 = arith.constant 5000 : i32
    %add3A_225 = arith.addi %mul3A_59, %add3A_224 : i32
    %lt3A_226 = vector.broadcast %add3A_225 : i32 to vector<16xi32>
    %lt3A_227 = arith.cmpi slt, %get3A_221, %lt3A_226 : vector<16xi32>
    %and3A_228 = arith.andi %ge3A_223, %lt3A_227 : vector<16xi1>
    %sub3A_229 = vector.broadcast %mul3A_59 : i32 to vector<16xi32>
    %sub3A_230 = arith.subi %get3A_221, %sub3A_229 : vector<16xi32>
    %jit3A_231 = arith.constant 5000 : i32
    %broadcast_in_dim3A_232 = vector.broadcast %jit3A_231 : i32 to vector<16xi32>
    %select_n3A_233 = arith.select %and3A_228, %sub3A_230, %broadcast_in_dim3A_232 : vector<16xi1>, vector<16xi32>
    %swap3A_234 = arith.constant 0 : i32
    %swap3A_235 = arith.constant 0 : i32
    %swap3A_236 = arith.constant 2 : i32
    %swap3A_237 = arith.index_cast %swap3A_234 : i32 to index
    %swap3A_238 = arith.index_cast %swap3A_235 : i32 to index
    %swap3A_239 = arith.index_cast %swap3A_236 : i32 to index
    %swap3A_240 = arith.constant 0 : index
    %swap3A_241 = tpu.vector_load %arg9[%swap3A_237, %swap3A_238, %swap3A_239, %swap3A_240] {strides = array<i32>} : memref<2x1x4x32xi32, #tpu.memory_space<vmem>>, vector<1x1x1x16xi32>,
    %swap3A_242 = vector.shape_cast %swap3A_241 : vector<1x1x1x16xi32> to vector<16xi32>
    %swap3A_243 = vector.shape_cast %select_n3A_233 : vector<16xi32> to vector<1x1x1x16xi32>
    tpu.vector_store %arg9[%swap3A_237, %swap3A_238, %swap3A_239, %swap3A_240], %swap3A_243 {strides = array<i32>} : memref<2x1x4x32xi32, #tpu.memory_space<vmem>>, vector<1x1x1x16xi32>,
    %get3A_244 = arith.constant 0 : i32
    %get3A_245 = arith.constant 0 : i32
    %get3A_246 = arith.constant 2 : i32
    %get3A_247 = arith.index_cast %get3A_244 : i32 to index
    %get3A_248 = arith.index_cast %get3A_245 : i32 to index
    %get3A_249 = arith.index_cast %get3A_246 : i32 to index
    %get3A_250 = arith.constant 16 : index
    %get3A_251 = tpu.vector_load %arg9[%get3A_247, %get3A_248, %get3A_249, %get3A_250] {strides = array<i32>} : memref<2x1x4x32xi32, #tpu.memory_space<vmem>>, vector<1x1x1x16xi32>,
    %get3A_252 = vector.shape_cast %get3A_251 : vector<1x1x1x16xi32> to vector<16xi32>
    %ge3A_253 = vector.broadcast %mul3A_59 : i32 to vector<16xi32>
    %ge3A_254 = arith.cmpi sge, %get3A_252, %ge3A_253 : vector<16xi32>
    %add3A_255 = arith.constant 5000 : i32
    %add3A_256 = arith.addi %mul3A_59, %add3A_255 : i32
    %lt3A_257 = vector.broadcast %add3A_256 : i32 to vector<16xi32>
    %lt3A_258 = arith.cmpi slt, %get3A_252, %lt3A_257 : vector<16xi32>
    %and3A_259 = arith.andi %ge3A_254, %lt3A_258 : vector<16xi1>
    %sub3A_260 = vector.broadcast %mul3A_59 : i32 to vector<16xi32>
    %sub3A_261 = arith.subi %get3A_252, %sub3A_260 : vector<16xi32>
    %jit3A_262 = arith.constant 5000 : i32
    %broadcast_in_dim3A_263 = vector.broadcast %jit3A_262 : i32 to vector<16xi32>
    %select_n3A_264 = arith.select %and3A_259, %sub3A_261, %broadcast_in_dim3A_263 : vector<16xi1>, vector<16xi32>
    %swap3A_265 = arith.constant 0 : i32
    %swap3A_266 = arith.constant 0 : i32
    %swap3A_267 = arith.constant 2 : i32
    %swap3A_268 = arith.index_cast %swap3A_265 : i32 to index
    %swap3A_269 = arith.index_cast %swap3A_266 : i32 to index
    %swap3A_270 = arith.index_cast %swap3A_267 : i32 to index
    %swap3A_271 = arith.constant 16 : index
    %swap3A_272 = tpu.vector_load %arg9[%swap3A_268, %swap3A_269, %swap3A_270, %swap3A_271] {strides = array<i32>} : memref<2x1x4x32xi32, #tpu.memory_space<vmem>>, vector<1x1x1x16xi32>,
    %swap3A_273 = vector.shape_cast %swap3A_272 : vector<1x1x1x16xi32> to vector<16xi32>
    %swap3A_274 = vector.shape_cast %select_n3A_264 : vector<16xi32> to vector<1x1x1x16xi32>
    tpu.vector_store %arg9[%swap3A_268, %swap3A_269, %swap3A_270, %swap3A_271], %swap3A_274 {strides = array<i32>} : memref<2x1x4x32xi32, #tpu.memory_space<vmem>>, vector<1x1x1x16xi32>,
    %get3A_275 = arith.constant 0 : i32
    %get3A_276 = arith.constant 0 : i32
    %get3A_277 = arith.constant 3 : i32
    %get3A_278 = arith.index_cast %get3A_275 : i32 to index
    %get3A_279 = arith.index_cast %get3A_276 : i32 to index
    %get3A_280 = arith.index_cast %get3A_277 : i32 to index
    %get3A_281 = arith.constant 0 : index
    %get3A_282 = tpu.vector_load %arg9[%get3A_278, %get3A_279, %get3A_280, %get3A_281] {strides = array<i32>} : memref<2x1x4x32xi32, #tpu.memory_space<vmem>>, vector<1x1x1x16xi32>,
    %get3A_283 = vector.shape_cast %get3A_282 : vector<1x1x1x16xi32> to vector<16xi32>
    %ge3A_284 = vector.broadcast %mul3A_59 : i32 to vector<16xi32>
    %ge3A_285 = arith.cmpi sge, %get3A_283, %ge3A_284 : vector<16xi32>
    %add3A_286 = arith.constant 5000 : i32
    %add3A_287 = arith.addi %mul3A_59, %add3A_286 : i32
    %lt3A_288 = vector.broadcast %add3A_287 : i32 to vector<16xi32>
    %lt3A_289 = arith.cmpi slt, %get3A_283, %lt3A_288 : vector<16xi32>
    %and3A_290 = arith.andi %ge3A_285, %lt3A_289 : vector<16xi1>
    %sub3A_291 = vector.broadcast %mul3A_59 : i32 to vector<16xi32>
    %sub3A_292 = arith.subi %get3A_283, %sub3A_291 : vector<16xi32>
    %jit3A_293 = arith.constant 5000 : i32
    %broadcast_in_dim3A_294 = vector.broadcast %jit3A_293 : i32 to vector<16xi32>
    %select_n3A_295 = arith.select %and3A_290, %sub3A_292, %broadcast_in_dim3A_294 : vector<16xi1>, vector<16xi32>
    %swap3A_296 = arith.constant 0 : i32
    %swap3A_297 = arith.constant 0 : i32
    %swap3A_298 = arith.constant 3 : i32
    %swap3A_299 = arith.index_cast %swap3A_296 : i32 to index
    %swap3A_300 = arith.index_cast %swap3A_297 : i32 to index
    %swap3A_301 = arith.index_cast %swap3A_298 : i32 to index
    %swap3A_302 = arith.constant 0 : index
    %swap3A_303 = tpu.vector_load %arg9[%swap3A_299, %swap3A_300, %swap3A_301, %swap3A_302] {strides = array<i32>} : memref<2x1x4x32xi32, #tpu.memory_space<vmem>>, vector<1x1x1x16xi32>,
    %swap3A_304 = vector.shape_cast %swap3A_303 : vector<1x1x1x16xi32> to vector<16xi32>
    %swap3A_305 = vector.shape_cast %select_n3A_295 : vector<16xi32> to vector<1x1x1x16xi32>
    tpu.vector_store %arg9[%swap3A_299, %swap3A_300, %swap3A_301, %swap3A_302], %swap3A_305 {strides = array<i32>} : memref<2x1x4x32xi32, #tpu.memory_space<vmem>>, vector<1x1x1x16xi32>,
    %get3A_306 = arith.constant 0 : i32
    %get3A_307 = arith.constant 0 : i32
    %get3A_308 = arith.constant 3 : i32
    %get3A_309 = arith.index_cast %get3A_306 : i32 to index
    %get3A_310 = arith.index_cast %get3A_307 : i32 to index
    %get3A_311 = arith.index_cast %get3A_308 : i32 to index
    %get3A_312 = arith.constant 16 : index
    %get3A_313 = tpu.vector_load %arg9[%get3A_309, %get3A_310, %get3A_311, %get3A_312] {strides = array<i32>} : memref<2x1x4x32xi32, #tpu.memory_space<vmem>>, vector<1x1x1x16xi32>,
    %get3A_314 = vector.shape_cast %get3A_313 : vector<1x1x1x16xi32> to vector<16xi32>
    %ge3A_315 = vector.broadcast %mul3A_59 : i32 to vector<16xi32>
    %ge3A_316 = arith.cmpi sge, %get3A_314, %ge3A_315 : vector<16xi32>
    %add3A_317 = arith.constant 5000 : i32
    %add3A_318 = arith.addi %mul3A_59, %add3A_317 : i32
    %lt3A_319 = vector.broadcast %add3A_318 : i32 to vector<16xi32>
    %lt3A_320 = arith.cmpi slt, %get3A_314, %lt3A_319 : vector<16xi32>
    %and3A_321 = arith.andi %ge3A_316, %lt3A_320 : vector<16xi1>
    %sub3A_322 = vector.broadcast %mul3A_59 : i32 to vector<16xi32>
    %sub3A_323 = arith.subi %get3A_314, %sub3A_322 : vector<16xi32>
    %jit3A_324 = arith.constant 5000 : i32
    %broadcast_in_dim3A_325 = vector.broadcast %jit3A_324 : i32 to vector<16xi32>
    %select_n3A_326 = arith.select %and3A_321, %sub3A_323, %broadcast_in_dim3A_325 : vector<16xi1>, vector<16xi32>
    %swap3A_327 = arith.constant 0 : i32
    %swap3A_328 = arith.constant 0 : i32
    %swap3A_329 = arith.constant 3 : i32
    %swap3A_330 = arith.index_cast %swap3A_327 : i32 to index
    %swap3A_331 = arith.index_cast %swap3A_328 : i32 to index
    %swap3A_332 = arith.index_cast %swap3A_329 : i32 to index
    %swap3A_333 = arith.constant 16 : index
    %swap3A_334 = tpu.vector_load %arg9[%swap3A_330, %swap3A_331, %swap3A_332, %swap3A_333] {strides = array<i32>} : memref<2x1x4x32xi32, #tpu.memory_space<vmem>>, vector<1x1x1x16xi32>,
    %swap3A_335 = vector.shape_cast %swap3A_334 : vector<1x1x1x16xi32> to vector<16xi32>
    %swap3A_336 = vector.shape_cast %select_n3A_326 : vector<16xi32> to vector<1x1x1x16xi32>
    tpu.vector_store %arg9[%swap3A_330, %swap3A_331, %swap3A_332, %swap3A_333], %swap3A_336 {strides = array<i32>} : memref<2x1x4x32xi32, #tpu.memory_space<vmem>>, vector<1x1x1x16xi32>,
    %dma_start3A_337 = arith.constant 0 : i32
    %dma_start3A_338 = arith.constant 0 : i32
    %dma_start3A_339 = arith.constant 0 : i32
    %dma_start3A_340 = arith.constant 0 : i32
    %dma_start3A_341 = arith.constant 0 : i32
    %dma_start3A_342 = arith.constant 0 : i32
    %dma_start3A_343 = tpu.memref_slice %arg10[%dma_start3A_340, %dma_start3A_341, %dma_start3A_342] : memref<2x32x128xf32, #tpu.memory_space<vmem>> -> memref<1x32x128xf32, #tpu.memory_space<vmem>>
    %dma_start3A_344 = tpu.memref_squeeze %dma_start3A_343 : memref<1x32x128xf32, #tpu.memory_space<vmem>> -> memref<32x128xf32, #tpu.memory_space<vmem>>
    %dma_start3A_345 = arith.constant 0 : i32
    %dma_start3A_346 = tpu.memref_slice %arg9[%dma_start3A_337, %dma_start3A_338, %dma_start3A_339, %dma_start3A_345] : memref<2x1x4x32xi32, #tpu.memory_space<vmem>> -> memref<1x1x1x32xi32, #tpu.memory_space<vmem>>
    %dma_start3A_347 = tpu.memref_squeeze %dma_start3A_346 : memref<1x1x1x32xi32, #tpu.memory_space<vmem>> -> memref<32xi32, #tpu.memory_space<vmem>>
    %dma_start3A_348 = arith.constant 0 : i32
    %dma_start3A_349 = arith.constant 0 : i32
    %dma_start3A_350 = tpu.memref_slice %arg11[%dma_start3A_348, %dma_start3A_349] : memref<5008x128xf32, #tpu.memory_space<vmem_shared>> -> memref<5008x128xf32, #tpu.memory_space<vmem_shared>>
    tpu.enqueue_indirect_dma source(%dma_start3A_350 : memref<5008x128xf32, #tpu.memory_space<vmem_shared>>) target(%dma_start3A_344 : memref<32x128xf32, #tpu.memory_space<vmem>>) offsets(%dma_start3A_347 : memref<32xi32, #tpu.memory_space<vmem>>) semaphore(%arg13 : memref<!tpu.dma_semaphore, #tpu.memory_space<semaphore_mem>>)
    %scan3A = arith.constant 0 : i32
    %scan3A_351 = arith.constant 0 : i32
    %scan3A_352 = arith.constant 157 : i32
    %scan3A_353 = arith.addi %scan3A_351, %scan3A_352 : i32
    %scan3A_354 = arith.constant 1 : i32
    scf.for %scan3A_382 = %scan3A_351 to %scan3A_353 step %scan3A_354  : i32 {
      %rem3A = arith.constant 2 : i32
      %rem3A_383 = arith.remsi %scan3A_382, %rem3A : i32
      %add3A_384 = arith.constant 1 : i32
      %add3A_385 = arith.addi %scan3A_382, %add3A_384 : i32
      %rem3A_386 = arith.constant 2 : i32
      %rem3A_387 = arith.remsi %add3A_385, %rem3A_386 : i32
      %add3A_388 = arith.constant 1 : i32
      %add3A_389 = arith.addi %scan3A_382, %add3A_388 : i32
      %lt3A_390 = arith.constant 157 : i32
      %lt3A_391 = arith.cmpi slt, %add3A_389, %lt3A_390 : i32
      %convert_element_type3A_392 = arith.extui %lt3A_391 : i1 to i32
      %cond3A_393 = arith.constant 0 : i32
      %cond3A_394 = arith.cmpi ne, %convert_element_type3A_392, %cond3A_393 : i32
      scf.if %cond3A_394 {
        %add3A_602 = arith.addi %mul3A_0, %scan3A_382 : i32
        %add3A_603 = arith.constant 1 : i32
        %add3A_604 = arith.addi %add3A_602, %add3A_603 : i32
        %dma_start3A_605 = arith.constant 0 : i32
        %dma_start3A_606 = arith.constant 0 : i32
        %dma_start3A_607 = arith.constant 0 : i32
        %dma_start3A_608 = tpu.memref_slice %arg8[%rem3A_387, %dma_start3A_605, %dma_start3A_606, %dma_start3A_607] : memref<2x1x4x32xi32, #tpu.memory_space<vmem>> -> memref<1x1x4x32xi32, #tpu.memory_space<vmem>>
        %dma_start3A_609 = tpu.memref_squeeze %dma_start3A_608 : memref<1x1x4x32xi32, #tpu.memory_space<vmem>> -> memref<1x4x32xi32, #tpu.memory_space<vmem>>
        %dma_start3A_610 = arith.constant 0 : i32
        %dma_start3A_611 = arith.constant 0 : i32
        %dma_start3A_612 = tpu.memref_slice %arg5[%add3A_604, %dma_start3A_610, %dma_start3A_611] : memref<2512x4x32xi32, #tpu.memory_space<hbm>> -> memref<1x4x32xi32, #tpu.memory_space<hbm>>
        %dma_start3A_613 = arith.constant 0 : i32
        %dma_start3A_614 = arith.constant 0 : i32
        %dma_start3A_615 = arith.constant 0 : i32
        %dma_start3A_616 = tpu.memref_slice %arg8[%rem3A_387, %dma_start3A_613, %dma_start3A_614, %dma_start3A_615] : memref<2x1x4x32xi32, #tpu.memory_space<vmem>> -> memref<1x1x4x32xi32, #tpu.memory_space<vmem>>
        %dma_start3A_617 = tpu.memref_squeeze %dma_start3A_616 : memref<1x1x4x32xi32, #tpu.memory_space<vmem>> -> memref<1x4x32xi32, #tpu.memory_space<vmem>>
        %dma_start3A_618 = arith.constant 0 : i32
        %dma_start3A_619 = arith.constant 0 : i32
        %dma_start3A_620 = tpu.memref_slice %arg5[%add3A_604, %dma_start3A_618, %dma_start3A_619] : memref<2512x4x32xi32, #tpu.memory_space<hbm>> -> memref<1x4x32xi32, #tpu.memory_space<hbm>>
        tpu.enqueue_dma source(%dma_start3A_620 : memref<1x4x32xi32, #tpu.memory_space<hbm>>) target(%dma_start3A_617 : memref<1x4x32xi32, #tpu.memory_space<vmem>>) target_semaphore(%arg15 : memref<!tpu.dma_semaphore, #tpu.memory_space<semaphore_mem>>)
        %add3A_621 = arith.addi %mul3A_0, %scan3A_382 : i32
        %add3A_622 = arith.constant 1 : i32
        %add3A_623 = arith.addi %add3A_621, %add3A_622 : i32
        %dma_start3A_624 = arith.constant 0 : i32
        %dma_start3A_625 = arith.constant 0 : i32
        %dma_start3A_626 = arith.constant 0 : i32
        %dma_start3A_627 = tpu.memref_slice %arg9[%rem3A_387, %dma_start3A_624, %dma_start3A_625, %dma_start3A_626] : memref<2x1x4x32xi32, #tpu.memory_space<vmem>> -> memref<1x1x4x32xi32, #tpu.memory_space<vmem>>
        %dma_start3A_628 = tpu.memref_squeeze %dma_start3A_627 : memref<1x1x4x32xi32, #tpu.memory_space<vmem>> -> memref<1x4x32xi32, #tpu.memory_space<vmem>>
        %dma_start3A_629 = arith.constant 0 : i32
        %dma_start3A_630 = arith.constant 0 : i32
        %dma_start3A_631 = tpu.memref_slice %arg6[%add3A_623, %dma_start3A_629, %dma_start3A_630] : memref<2512x4x32xi32, #tpu.memory_space<hbm>> -> memref<1x4x32xi32, #tpu.memory_space<hbm>>
        %dma_start3A_632 = arith.constant 0 : i32
        %dma_start3A_633 = arith.constant 0 : i32
        %dma_start3A_634 = arith.constant 0 : i32
        %dma_start3A_635 = tpu.memref_slice %arg9[%rem3A_387, %dma_start3A_632, %dma_start3A_633, %dma_start3A_634] : memref<2x1x4x32xi32, #tpu.memory_space<vmem>> -> memref<1x1x4x32xi32, #tpu.memory_space<vmem>>
        %dma_start3A_636 = tpu.memref_squeeze %dma_start3A_635 : memref<1x1x4x32xi32, #tpu.memory_space<vmem>> -> memref<1x4x32xi32, #tpu.memory_space<vmem>>
        %dma_start3A_637 = arith.constant 0 : i32
        %dma_start3A_638 = arith.constant 0 : i32
        %dma_start3A_639 = tpu.memref_slice %arg6[%add3A_623, %dma_start3A_637, %dma_start3A_638] : memref<2512x4x32xi32, #tpu.memory_space<hbm>> -> memref<1x4x32xi32, #tpu.memory_space<hbm>>
        tpu.enqueue_dma source(%dma_start3A_639 : memref<1x4x32xi32, #tpu.memory_space<hbm>>) target(%dma_start3A_636 : memref<1x4x32xi32, #tpu.memory_space<vmem>>) target_semaphore(%arg15 : memref<!tpu.dma_semaphore, #tpu.memory_space<semaphore_mem>>)
      } else {
      }
      %gt3A = arith.constant 0 : i32
      %gt3A_395 = arith.cmpi sgt, %scan3A_382, %gt3A : i32
      %convert_element_type3A_396 = arith.extui %gt3A_395 : i1 to i32
      %cond3A_397 = arith.constant 0 : i32
      %cond3A_398 = arith.cmpi ne, %convert_element_type3A_396, %cond3A_397 : i32
      scf.if %cond3A_398 {
        %dma_wait3A_602 = arith.constant 0 : i32
        %dma_wait3A_603 = arith.constant 0 : i32
        %dma_wait3A_604 = arith.constant 0 : i32
        %dma_wait3A_605 = tpu.memref_slice %arg10[%dma_wait3A_602, %dma_wait3A_603, %dma_wait3A_604] : memref<2x32x128xf32, #tpu.memory_space<vmem>> -> memref<1x32x128xf32, #tpu.memory_space<vmem>>
        %dma_wait3A_606 = tpu.memref_squeeze %dma_wait3A_605 : memref<1x32x128xf32, #tpu.memory_space<vmem>> -> memref<32x128xf32, #tpu.memory_space<vmem>>
        %dma_wait3A_607 = arith.constant 0 : i32
        %dma_wait3A_608 = arith.constant 0 : i32
        %dma_wait3A_609 = tpu.memref_slice %arg2[%dma_wait3A_607, %dma_wait3A_608] : memref<10000x128xf32, #tpu.memory_space<hbm>> -> memref<32x128xf32, #tpu.memory_space<hbm>>
        %dma_wait3A_610 = arith.constant 0 : i32
        %dma_wait3A_611 = arith.constant 0 : i32
        %dma_wait3A_612 = tpu.memref_slice %arg10[%dma_wait3A_602, %dma_wait3A_610, %dma_wait3A_611] : memref<2x32x128xf32, #tpu.memory_space<vmem>> -> memref<1x32x128xf32, #tpu.memory_space<vmem>>
        %dma_wait3A_613 = tpu.memref_squeeze %dma_wait3A_612 : memref<1x32x128xf32, #tpu.memory_space<vmem>> -> memref<32x128xf32, #tpu.memory_space<vmem>>
        %dma_wait3A_614 = arith.constant 0 : i32
        %dma_wait3A_615 = arith.constant 0 : i32
        %dma_wait3A_616 = tpu.memref_slice %arg2[%dma_wait3A_614, %dma_wait3A_615] : memref<10000x128xf32, #tpu.memory_space<hbm>> -> memref<32x128xf32, #tpu.memory_space<hbm>>
        tpu.wait_dma2 semaphore(%arg14 : memref<!tpu.dma_semaphore, #tpu.memory_space<semaphore_mem>>) src(%dma_wait3A_616 : memref<32x128xf32, #tpu.memory_space<hbm>>) dst(%dma_wait3A_613 : memref<32x128xf32, #tpu.memory_space<vmem>>)
      } else {
      }
      %dma_start3A_399 = arith.constant 0 : i32
      %dma_start3A_400 = arith.constant 1 : i32
      %dma_start3A_401 = arith.constant 1 : i32
      %dma_start3A_402 = arith.constant 0 : i32
      %dma_start3A_403 = arith.constant 0 : i32
      %dma_start3A_404 = tpu.memref_slice %arg10[%dma_start3A_401, %dma_start3A_402, %dma_start3A_403] : memref<2x32x128xf32, #tpu.memory_space<vmem>> -> memref<1x32x128xf32, #tpu.memory_space<vmem>>
      %dma_start3A_405 = tpu.memref_squeeze %dma_start3A_404 : memref<1x32x128xf32, #tpu.memory_space<vmem>> -> memref<32x128xf32, #tpu.memory_space<vmem>>
      %dma_start3A_406 = arith.constant 0 : i32
      %dma_start3A_407 = tpu.memref_slice %arg9[%rem3A_383, %dma_start3A_399, %dma_start3A_400, %dma_start3A_406] : memref<2x1x4x32xi32, #tpu.memory_space<vmem>> -> memref<1x1x1x32xi32, #tpu.memory_space<vmem>>
      %dma_start3A_408 = tpu.memref_squeeze %dma_start3A_407 : memref<1x1x1x32xi32, #tpu.memory_space<vmem>> -> memref<32xi32, #tpu.memory_space<vmem>>
      %dma_start3A_409 = arith.constant 0 : i32
      %dma_start3A_410 = arith.constant 0 : i32
      %dma_start3A_411 = tpu.memref_slice %arg11[%dma_start3A_409, %dma_start3A_410] : memref<5008x128xf32, #tpu.memory_space<vmem_shared>> -> memref<5008x128xf32, #tpu.memory_space<vmem_shared>>
      tpu.enqueue_indirect_dma source(%dma_start3A_411 : memref<5008x128xf32, #tpu.memory_space<vmem_shared>>) target(%dma_start3A_405 : memref<32x128xf32, #tpu.memory_space<vmem>>) offsets(%dma_start3A_408 : memref<32xi32, #tpu.memory_space<vmem>>) semaphore(%arg13 : memref<!tpu.dma_semaphore, #tpu.memory_space<semaphore_mem>>)
      %dma_wait3A_412 = arith.constant 0 : i32
      %dma_wait3A_413 = arith.constant 0 : i32
      %dma_wait3A_414 = arith.constant 0 : i32
      %dma_wait3A_415 = tpu.memref_slice %arg10[%dma_wait3A_412, %dma_wait3A_413, %dma_wait3A_414] : memref<2x32x128xf32, #tpu.memory_space<vmem>> -> memref<1x32x128xf32, #tpu.memory_space<vmem>>
      %dma_wait3A_416 = tpu.memref_squeeze %dma_wait3A_415 : memref<1x32x128xf32, #tpu.memory_space<vmem>> -> memref<32x128xf32, #tpu.memory_space<vmem>>
      %dma_wait3A_417 = arith.constant 0 : i32
      %dma_wait3A_418 = arith.constant 0 : i32
      %dma_wait3A_419 = tpu.memref_slice %arg2[%dma_wait3A_417, %dma_wait3A_418] : memref<10000x128xf32, #tpu.memory_space<hbm>> -> memref<32x128xf32, #tpu.memory_space<hbm>>
      %dma_wait3A_420 = arith.constant 0 : i32
      %dma_wait3A_421 = arith.constant 0 : i32
      %dma_wait3A_422 = tpu.memref_slice %arg10[%dma_wait3A_412, %dma_wait3A_420, %dma_wait3A_421] : memref<2x32x128xf32, #tpu.memory_space<vmem>> -> memref<1x32x128xf32, #tpu.memory_space<vmem>>
      %dma_wait3A_423 = tpu.memref_squeeze %dma_wait3A_422 : memref<1x32x128xf32, #tpu.memory_space<vmem>> -> memref<32x128xf32, #tpu.memory_space<vmem>>
      %dma_wait3A_424 = arith.constant 0 : i32
      %dma_wait3A_425 = arith.constant 0 : i32
      %dma_wait3A_426 = tpu.memref_slice %arg2[%dma_wait3A_424, %dma_wait3A_425] : memref<10000x128xf32, #tpu.memory_space<hbm>> -> memref<32x128xf32, #tpu.memory_space<hbm>>
      tpu.wait_dma2 semaphore(%arg13 : memref<!tpu.dma_semaphore, #tpu.memory_space<semaphore_mem>>) src(%dma_wait3A_426 : memref<32x128xf32, #tpu.memory_space<hbm>>) dst(%dma_wait3A_423 : memref<32x128xf32, #tpu.memory_space<vmem>>)
      %dma_start3A_427 = arith.constant 0 : i32
      %dma_start3A_428 = arith.constant 0 : i32
      %dma_start3A_429 = arith.constant 0 : i32
      %dma_start3A_430 = arith.constant 0 : i32
      %dma_start3A_431 = arith.constant 0 : i32
      %dma_start3A_432 = tpu.memref_slice %arg10[%dma_start3A_427, %dma_start3A_430, %dma_start3A_431] : memref<2x32x128xf32, #tpu.memory_space<vmem>> -> memref<1x32x128xf32, #tpu.memory_space<vmem>>
      %dma_start3A_433 = tpu.memref_squeeze %dma_start3A_432 : memref<1x32x128xf32, #tpu.memory_space<vmem>> -> memref<32x128xf32, #tpu.memory_space<vmem>>
      %dma_start3A_434 = arith.constant 0 : i32
      %dma_start3A_435 = tpu.memref_slice %arg8[%rem3A_383, %dma_start3A_428, %dma_start3A_429, %dma_start3A_434] : memref<2x1x4x32xi32, #tpu.memory_space<vmem>> -> memref<1x1x1x32xi32, #tpu.memory_space<vmem>>
      %dma_start3A_436 = tpu.memref_squeeze %dma_start3A_435 : memref<1x1x1x32xi32, #tpu.memory_space<vmem>> -> memref<32xi32, #tpu.memory_space<vmem>>
      %dma_start3A_437 = arith.constant 0 : i32
      %dma_start3A_438 = arith.constant 0 : i32
      %dma_start3A_439 = tpu.memref_slice %arg12[%dma_start3A_437, %dma_start3A_438] : memref<10000x128xf32, #tpu.memory_space<vmem_shared>> -> memref<10000x128xf32, #tpu.memory_space<vmem_shared>>
      tpu.enqueue_indirect_dma source(%dma_start3A_433 : memref<32x128xf32, #tpu.memory_space<vmem>>) target(%dma_start3A_439 : memref<10000x128xf32, #tpu.memory_space<vmem_shared>>) offsets(%dma_start3A_436 : memref<32xi32, #tpu.memory_space<vmem>>) semaphore(%arg14 : memref<!tpu.dma_semaphore, #tpu.memory_space<semaphore_mem>>) {add = true}
      %dma_wait3A_440 = arith.constant 0 : i32
      %dma_wait3A_441 = arith.constant 0 : i32
      %dma_wait3A_442 = arith.constant 0 : i32
      %dma_wait3A_443 = tpu.memref_slice %arg10[%dma_wait3A_440, %dma_wait3A_441, %dma_wait3A_442] : memref<2x32x128xf32, #tpu.memory_space<vmem>> -> memref<1x32x128xf32, #tpu.memory_space<vmem>>
      %dma_wait3A_444 = tpu.memref_squeeze %dma_wait3A_443 : memref<1x32x128xf32, #tpu.memory_space<vmem>> -> memref<32x128xf32, #tpu.memory_space<vmem>>
      %dma_wait3A_445 = arith.constant 0 : i32
      %dma_wait3A_446 = arith.constant 0 : i32
      %dma_wait3A_447 = tpu.memref_slice %arg2[%dma_wait3A_445, %dma_wait3A_446] : memref<10000x128xf32, #tpu.memory_space<hbm>> -> memref<32x128xf32, #tpu.memory_space<hbm>>
      %dma_wait3A_448 = arith.constant 0 : i32
      %dma_wait3A_449 = arith.constant 0 : i32
      %dma_wait3A_450 = tpu.memref_slice %arg10[%dma_wait3A_440, %dma_wait3A_448, %dma_wait3A_449] : memref<2x32x128xf32, #tpu.memory_space<vmem>> -> memref<1x32x128xf32, #tpu.memory_space<vmem>>
      %dma_wait3A_451 = tpu.memref_squeeze %dma_wait3A_450 : memref<1x32x128xf32, #tpu.memory_space<vmem>> -> memref<32x128xf32, #tpu.memory_space<vmem>>
      %dma_wait3A_452 = arith.constant 0 : i32
      %dma_wait3A_453 = arith.constant 0 : i32
      %dma_wait3A_454 = tpu.memref_slice %arg2[%dma_wait3A_452, %dma_wait3A_453] : memref<10000x128xf32, #tpu.memory_space<hbm>> -> memref<32x128xf32, #tpu.memory_space<hbm>>
      tpu.wait_dma2 semaphore(%arg14 : memref<!tpu.dma_semaphore, #tpu.memory_space<semaphore_mem>>) src(%dma_wait3A_454 : memref<32x128xf32, #tpu.memory_space<hbm>>) dst(%dma_wait3A_451 : memref<32x128xf32, #tpu.memory_space<vmem>>)
      %dma_start3A_455 = arith.constant 0 : i32
      %dma_start3A_456 = arith.constant 2 : i32
      %dma_start3A_457 = arith.constant 0 : i32
      %dma_start3A_458 = arith.constant 0 : i32
      %dma_start3A_459 = arith.constant 0 : i32
      %dma_start3A_460 = tpu.memref_slice %arg10[%dma_start3A_457, %dma_start3A_458, %dma_start3A_459] : memref<2x32x128xf32, #tpu.memory_space<vmem>> -> memref<1x32x128xf32, #tpu.memory_space<vmem>>
      %dma_start3A_461 = tpu.memref_squeeze %dma_start3A_460 : memref<1x32x128xf32, #tpu.memory_space<vmem>> -> memref<32x128xf32, #tpu.memory_space<vmem>>
      %dma_start3A_462 = arith.constant 0 : i32
      %dma_start3A_463 = tpu.memref_slice %arg9[%rem3A_383, %dma_start3A_455, %dma_start3A_456, %dma_start3A_462] : memref<2x1x4x32xi32, #tpu.memory_space<vmem>> -> memref<1x1x1x32xi32, #tpu.memory_space<vmem>>
      %dma_start3A_464 = tpu.memref_squeeze %dma_start3A_463 : memref<1x1x1x32xi32, #tpu.memory_space<vmem>> -> memref<32xi32, #tpu.memory_space<vmem>>
      %dma_start3A_465 = arith.constant 0 : i32
      %dma_start3A_466 = arith.constant 0 : i32
      %dma_start3A_467 = tpu.memref_slice %arg11[%dma_start3A_465, %dma_start3A_466] : memref<5008x128xf32, #tpu.memory_space<vmem_shared>> -> memref<5008x128xf32, #tpu.memory_space<vmem_shared>>
      tpu.enqueue_indirect_dma source(%dma_start3A_467 : memref<5008x128xf32, #tpu.memory_space<vmem_shared>>) target(%dma_start3A_461 : memref<32x128xf32, #tpu.memory_space<vmem>>) offsets(%dma_start3A_464 : memref<32xi32, #tpu.memory_space<vmem>>) semaphore(%arg13 : memref<!tpu.dma_semaphore, #tpu.memory_space<semaphore_mem>>)
      %dma_wait3A_468 = arith.constant 0 : i32
      %dma_wait3A_469 = arith.constant 0 : i32
      %dma_wait3A_470 = arith.constant 0 : i32
      %dma_wait3A_471 = tpu.memref_slice %arg10[%dma_wait3A_468, %dma_wait3A_469, %dma_wait3A_470] : memref<2x32x128xf32, #tpu.memory_space<vmem>> -> memref<1x32x128xf32, #tpu.memory_space<vmem>>
      %dma_wait3A_472 = tpu.memref_squeeze %dma_wait3A_471 : memref<1x32x128xf32, #tpu.memory_space<vmem>> -> memref<32x128xf32, #tpu.memory_space<vmem>>
      %dma_wait3A_473 = arith.constant 0 : i32
      %dma_wait3A_474 = arith.constant 0 : i32
      %dma_wait3A_475 = tpu.memref_slice %arg2[%dma_wait3A_473, %dma_wait3A_474] : memref<10000x128xf32, #tpu.memory_space<hbm>> -> memref<32x128xf32, #tpu.memory_space<hbm>>
      %dma_wait3A_476 = arith.constant 0 : i32
      %dma_wait3A_477 = arith.constant 0 : i32
      %dma_wait3A_478 = tpu.memref_slice %arg10[%dma_wait3A_468, %dma_wait3A_476, %dma_wait3A_477] : memref<2x32x128xf32, #tpu.memory_space<vmem>> -> memref<1x32x128xf32, #tpu.memory_space<vmem>>
      %dma_wait3A_479 = tpu.memref_squeeze %dma_wait3A_478 : memref<1x32x128xf32, #tpu.memory_space<vmem>> -> memref<32x128xf32, #tpu.memory_space<vmem>>
      %dma_wait3A_480 = arith.constant 0 : i32
      %dma_wait3A_481 = arith.constant 0 : i32
      %dma_wait3A_482 = tpu.memref_slice %arg2[%dma_wait3A_480, %dma_wait3A_481] : memref<10000x128xf32, #tpu.memory_space<hbm>> -> memref<32x128xf32, #tpu.memory_space<hbm>>
      tpu.wait_dma2 semaphore(%arg13 : memref<!tpu.dma_semaphore, #tpu.memory_space<semaphore_mem>>) src(%dma_wait3A_482 : memref<32x128xf32, #tpu.memory_space<hbm>>) dst(%dma_wait3A_479 : memref<32x128xf32, #tpu.memory_space<vmem>>)
      %dma_start3A_483 = arith.constant 1 : i32
      %dma_start3A_484 = arith.constant 0 : i32
      %dma_start3A_485 = arith.constant 1 : i32
      %dma_start3A_486 = arith.constant 0 : i32
      %dma_start3A_487 = arith.constant 0 : i32
      %dma_start3A_488 = tpu.memref_slice %arg10[%dma_start3A_483, %dma_start3A_486, %dma_start3A_487] : memref<2x32x128xf32, #tpu.memory_space<vmem>> -> memref<1x32x128xf32, #tpu.memory_space<vmem>>
      %dma_start3A_489 = tpu.memref_squeeze %dma_start3A_488 : memref<1x32x128xf32, #tpu.memory_space<vmem>> -> memref<32x128xf32, #tpu.memory_space<vmem>>
      %dma_start3A_490 = arith.constant 0 : i32
      %dma_start3A_491 = tpu.memref_slice %arg8[%rem3A_383, %dma_start3A_484, %dma_start3A_485, %dma_start3A_490] : memref<2x1x4x32xi32, #tpu.memory_space<vmem>> -> memref<1x1x1x32xi32, #tpu.memory_space<vmem>>
      %dma_start3A_492 = tpu.memref_squeeze %dma_start3A_491 : memref<1x1x1x32xi32, #tpu.memory_space<vmem>> -> memref<32xi32, #tpu.memory_space<vmem>>
      %dma_start3A_493 = arith.constant 0 : i32
      %dma_start3A_494 = arith.constant 0 : i32
      %dma_start3A_495 = tpu.memref_slice %arg12[%dma_start3A_493, %dma_start3A_494] : memref<10000x128xf32, #tpu.memory_space<vmem_shared>> -> memref<10000x128xf32, #tpu.memory_space<vmem_shared>>
      tpu.enqueue_indirect_dma source(%dma_start3A_489 : memref<32x128xf32, #tpu.memory_space<vmem>>) target(%dma_start3A_495 : memref<10000x128xf32, #tpu.memory_space<vmem_shared>>) offsets(%dma_start3A_492 : memref<32xi32, #tpu.memory_space<vmem>>) semaphore(%arg14 : memref<!tpu.dma_semaphore, #tpu.memory_space<semaphore_mem>>) {add = true}
      %dma_wait3A_496 = arith.constant 0 : i32
      %dma_wait3A_497 = arith.constant 0 : i32
      %dma_wait3A_498 = arith.constant 0 : i32
      %dma_wait3A_499 = tpu.memref_slice %arg10[%dma_wait3A_496, %dma_wait3A_497, %dma_wait3A_498] : memref<2x32x128xf32, #tpu.memory_space<vmem>> -> memref<1x32x128xf32, #tpu.memory_space<vmem>>
      %dma_wait3A_500 = tpu.memref_squeeze %dma_wait3A_499 : memref<1x32x128xf32, #tpu.memory_space<vmem>> -> memref<32x128xf32, #tpu.memory_space<vmem>>
      %dma_wait3A_501 = arith.constant 0 : i32
      %dma_wait3A_502 = arith.constant 0 : i32
      %dma_wait3A_503 = tpu.memref_slice %arg2[%dma_wait3A_501, %dma_wait3A_502] : memref<10000x128xf32, #tpu.memory_space<hbm>> -> memref<32x128xf32, #tpu.memory_space<hbm>>
      %dma_wait3A_504 = arith.constant 0 : i32
      %dma_wait3A_505 = arith.constant 0 : i32
      %dma_wait3A_506 = tpu.memref_slice %arg10[%dma_wait3A_496, %dma_wait3A_504, %dma_wait3A_505] : memref<2x32x128xf32, #tpu.memory_space<vmem>> -> memref<1x32x128xf32, #tpu.memory_space<vmem>>
      %dma_wait3A_507 = tpu.memref_squeeze %dma_wait3A_506 : memref<1x32x128xf32, #tpu.memory_space<vmem>> -> memref<32x128xf32, #tpu.memory_space<vmem>>
      %dma_wait3A_508 = arith.constant 0 : i32
      %dma_wait3A_509 = arith.constant 0 : i32
      %dma_wait3A_510 = tpu.memref_slice %arg2[%dma_wait3A_508, %dma_wait3A_509] : memref<10000x128xf32, #tpu.memory_space<hbm>> -> memref<32x128xf32, #tpu.memory_space<hbm>>
      tpu.wait_dma2 semaphore(%arg14 : memref<!tpu.dma_semaphore, #tpu.memory_space<semaphore_mem>>) src(%dma_wait3A_510 : memref<32x128xf32, #tpu.memory_space<hbm>>) dst(%dma_wait3A_507 : memref<32x128xf32, #tpu.memory_space<vmem>>)
      %dma_start3A_511 = arith.constant 0 : i32
      %dma_start3A_512 = arith.constant 3 : i32
      %dma_start3A_513 = arith.constant 1 : i32
      %dma_start3A_514 = arith.constant 0 : i32
      %dma_start3A_515 = arith.constant 0 : i32
      %dma_start3A_516 = tpu.memref_slice %arg10[%dma_start3A_513, %dma_start3A_514, %dma_start3A_515] : memref<2x32x128xf32, #tpu.memory_space<vmem>> -> memref<1x32x128xf32, #tpu.memory_space<vmem>>
      %dma_start3A_517 = tpu.memref_squeeze %dma_start3A_516 : memref<1x32x128xf32, #tpu.memory_space<vmem>> -> memref<32x128xf32, #tpu.memory_space<vmem>>
      %dma_start3A_518 = arith.constant 0 : i32
      %dma_start3A_519 = tpu.memref_slice %arg9[%rem3A_383, %dma_start3A_511, %dma_start3A_512, %dma_start3A_518] : memref<2x1x4x32xi32, #tpu.memory_space<vmem>> -> memref<1x1x1x32xi32, #tpu.memory_space<vmem>>
      %dma_start3A_520 = tpu.memref_squeeze %dma_start3A_519 : memref<1x1x1x32xi32, #tpu.memory_space<vmem>> -> memref<32xi32, #tpu.memory_space<vmem>>
      %dma_start3A_521 = arith.constant 0 : i32
      %dma_start3A_522 = arith.constant 0 : i32
      %dma_start3A_523 = tpu.memref_slice %arg11[%dma_start3A_521, %dma_start3A_522] : memref<5008x128xf32, #tpu.memory_space<vmem_shared>> -> memref<5008x128xf32, #tpu.memory_space<vmem_shared>>
      tpu.enqueue_indirect_dma source(%dma_start3A_523 : memref<5008x128xf32, #tpu.memory_space<vmem_shared>>) target(%dma_start3A_517 : memref<32x128xf32, #tpu.memory_space<vmem>>) offsets(%dma_start3A_520 : memref<32xi32, #tpu.memory_space<vmem>>) semaphore(%arg13 : memref<!tpu.dma_semaphore, #tpu.memory_space<semaphore_mem>>)
      %dma_wait3A_524 = arith.constant 0 : i32
      %dma_wait3A_525 = arith.constant 0 : i32
      %dma_wait3A_526 = arith.constant 0 : i32
      %dma_wait3A_527 = tpu.memref_slice %arg10[%dma_wait3A_524, %dma_wait3A_525, %dma_wait3A_526] : memref<2x32x128xf32, #tpu.memory_space<vmem>> -> memref<1x32x128xf32, #tpu.memory_space<vmem>>
      %dma_wait3A_528 = tpu.memref_squeeze %dma_wait3A_527 : memref<1x32x128xf32, #tpu.memory_space<vmem>> -> memref<32x128xf32, #tpu.memory_space<vmem>>
      %dma_wait3A_529 = arith.constant 0 : i32
      %dma_wait3A_530 = arith.constant 0 : i32
      %dma_wait3A_531 = tpu.memref_slice %arg2[%dma_wait3A_529, %dma_wait3A_530] : memref<10000x128xf32, #tpu.memory_space<hbm>> -> memref<32x128xf32, #tpu.memory_space<hbm>>
      %dma_wait3A_532 = arith.constant 0 : i32
      %dma_wait3A_533 = arith.constant 0 : i32
      %dma_wait3A_534 = tpu.memref_slice %arg10[%dma_wait3A_524, %dma_wait3A_532, %dma_wait3A_533] : memref<2x32x128xf32, #tpu.memory_space<vmem>> -> memref<1x32x128xf32, #tpu.memory_space<vmem>>
      %dma_wait3A_535 = tpu.memref_squeeze %dma_wait3A_534 : memref<1x32x128xf32, #tpu.memory_space<vmem>> -> memref<32x128xf32, #tpu.memory_space<vmem>>
      %dma_wait3A_536 = arith.constant 0 : i32
      %dma_wait3A_537 = arith.constant 0 : i32
      %dma_wait3A_538 = tpu.memref_slice %arg2[%dma_wait3A_536, %dma_wait3A_537] : memref<10000x128xf32, #tpu.memory_space<hbm>> -> memref<32x128xf32, #tpu.memory_space<hbm>>
      tpu.wait_dma2 semaphore(%arg13 : memref<!tpu.dma_semaphore, #tpu.memory_space<semaphore_mem>>) src(%dma_wait3A_538 : memref<32x128xf32, #tpu.memory_space<hbm>>) dst(%dma_wait3A_535 : memref<32x128xf32, #tpu.memory_space<vmem>>)
      %dma_start3A_539 = arith.constant 0 : i32
      %dma_start3A_540 = arith.constant 0 : i32
      %dma_start3A_541 = arith.constant 2 : i32
      %dma_start3A_542 = arith.constant 0 : i32
      %dma_start3A_543 = arith.constant 0 : i32
      %dma_start3A_544 = tpu.memref_slice %arg10[%dma_start3A_539, %dma_start3A_542, %dma_start3A_543] : memref<2x32x128xf32, #tpu.memory_space<vmem>> -> memref<1x32x128xf32, #tpu.memory_space<vmem>>
      %dma_start3A_545 = tpu.memref_squeeze %dma_start3A_544 : memref<1x32x128xf32, #tpu.memory_space<vmem>> -> memref<32x128xf32, #tpu.memory_space<vmem>>
      %dma_start3A_546 = arith.constant 0 : i32
      %dma_start3A_547 = tpu.memref_slice %arg8[%rem3A_383, %dma_start3A_540, %dma_start3A_541, %dma_start3A_546] : memref<2x1x4x32xi32, #tpu.memory_space<vmem>> -> memref<1x1x1x32xi32, #tpu.memory_space<vmem>>
      %dma_start3A_548 = tpu.memref_squeeze %dma_start3A_547 : memref<1x1x1x32xi32, #tpu.memory_space<vmem>> -> memref<32xi32, #tpu.memory_space<vmem>>
      %dma_start3A_549 = arith.constant 0 : i32
      %dma_start3A_550 = arith.constant 0 : i32
      %dma_start3A_551 = tpu.memref_slice %arg12[%dma_start3A_549, %dma_start3A_550] : memref<10000x128xf32, #tpu.memory_space<vmem_shared>> -> memref<10000x128xf32, #tpu.memory_space<vmem_shared>>
      tpu.enqueue_indirect_dma source(%dma_start3A_545 : memref<32x128xf32, #tpu.memory_space<vmem>>) target(%dma_start3A_551 : memref<10000x128xf32, #tpu.memory_space<vmem_shared>>) offsets(%dma_start3A_548 : memref<32xi32, #tpu.memory_space<vmem>>) semaphore(%arg14 : memref<!tpu.dma_semaphore, #tpu.memory_space<semaphore_mem>>) {add = true}
      %dma_wait3A_552 = arith.constant 0 : i32
      %dma_wait3A_553 = arith.constant 0 : i32
      %dma_wait3A_554 = arith.constant 0 : i32
      %dma_wait3A_555 = tpu.memref_slice %arg10[%dma_wait3A_552, %dma_wait3A_553, %dma_wait3A_554] : memref<2x32x128xf32, #tpu.memory_space<vmem>> -> memref<1x32x128xf32, #tpu.memory_space<vmem>>
      %dma_wait3A_556 = tpu.memref_squeeze %dma_wait3A_555 : memref<1x32x128xf32, #tpu.memory_space<vmem>> -> memref<32x128xf32, #tpu.memory_space<vmem>>
      %dma_wait3A_557 = arith.constant 0 : i32
      %dma_wait3A_558 = arith.constant 0 : i32
      %dma_wait3A_559 = tpu.memref_slice %arg2[%dma_wait3A_557, %dma_wait3A_558] : memref<10000x128xf32, #tpu.memory_space<hbm>> -> memref<32x128xf32, #tpu.memory_space<hbm>>
      %dma_wait3A_560 = arith.constant 0 : i32
      %dma_wait3A_561 = arith.constant 0 : i32
      %dma_wait3A_562 = tpu.memref_slice %arg10[%dma_wait3A_552, %dma_wait3A_560, %dma_wait3A_561] : memref<2x32x128xf32, #tpu.memory_space<vmem>> -> memref<1x32x128xf32, #tpu.memory_space<vmem>>
      %dma_wait3A_563 = tpu.memref_squeeze %dma_wait3A_562 : memref<1x32x128xf32, #tpu.memory_space<vmem>> -> memref<32x128xf32, #tpu.memory_space<vmem>>
      %dma_wait3A_564 = arith.constant 0 : i32
      %dma_wait3A_565 = arith.constant 0 : i32
      %dma_wait3A_566 = tpu.memref_slice %arg2[%dma_wait3A_564, %dma_wait3A_565] : memref<10000x128xf32, #tpu.memory_space<hbm>> -> memref<32x128xf32, #tpu.memory_space<hbm>>
      tpu.wait_dma2 semaphore(%arg14 : memref<!tpu.dma_semaphore, #tpu.memory_space<semaphore_mem>>) src(%dma_wait3A_566 : memref<32x128xf32, #tpu.memory_space<hbm>>) dst(%dma_wait3A_563 : memref<32x128xf32, #tpu.memory_space<vmem>>)
      %dma_wait3A_567 = arith.constant 0 : i32
      %dma_wait3A_568 = arith.constant 0 : i32
      %dma_wait3A_569 = arith.constant 0 : i32
      %dma_wait3A_570 = tpu.memref_slice %arg10[%dma_wait3A_567, %dma_wait3A_568, %dma_wait3A_569] : memref<2x32x128xf32, #tpu.memory_space<vmem>> -> memref<1x32x128xf32, #tpu.memory_space<vmem>>
      %dma_wait3A_571 = tpu.memref_squeeze %dma_wait3A_570 : memref<1x32x128xf32, #tpu.memory_space<vmem>> -> memref<32x128xf32, #tpu.memory_space<vmem>>
      %dma_wait3A_572 = arith.constant 0 : i32
      %dma_wait3A_573 = arith.constant 0 : i32
      %dma_wait3A_574 = tpu.memref_slice %arg2[%dma_wait3A_572, %dma_wait3A_573] : memref<10000x128xf32, #tpu.memory_space<hbm>> -> memref<32x128xf32, #tpu.memory_space<hbm>>
      %dma_wait3A_575 = arith.constant 0 : i32
      %dma_wait3A_576 = arith.constant 0 : i32
      %dma_wait3A_577 = tpu.memref_slice %arg10[%dma_wait3A_567, %dma_wait3A_575, %dma_wait3A_576] : memref<2x32x128xf32, #tpu.memory_space<vmem>> -> memref<1x32x128xf32, #tpu.memory_space<vmem>>
      %dma_wait3A_578 = tpu.memref_squeeze %dma_wait3A_577 : memref<1x32x128xf32, #tpu.memory_space<vmem>> -> memref<32x128xf32, #tpu.memory_space<vmem>>
      %dma_wait3A_579 = arith.constant 0 : i32
      %dma_wait3A_580 = arith.constant 0 : i32
      %dma_wait3A_581 = tpu.memref_slice %arg2[%dma_wait3A_579, %dma_wait3A_580] : memref<10000x128xf32, #tpu.memory_space<hbm>> -> memref<32x128xf32, #tpu.memory_space<hbm>>
      tpu.wait_dma2 semaphore(%arg13 : memref<!tpu.dma_semaphore, #tpu.memory_space<semaphore_mem>>) src(%dma_wait3A_581 : memref<32x128xf32, #tpu.memory_space<hbm>>) dst(%dma_wait3A_578 : memref<32x128xf32, #tpu.memory_space<vmem>>)
      %dma_start3A_582 = arith.constant 1 : i32
      %dma_start3A_583 = arith.constant 0 : i32
      %dma_start3A_584 = arith.constant 3 : i32
      %dma_start3A_585 = arith.constant 0 : i32
      %dma_start3A_586 = arith.constant 0 : i32
      %dma_start3A_587 = tpu.memref_slice %arg10[%dma_start3A_582, %dma_start3A_585, %dma_start3A_586] : memref<2x32x128xf32, #tpu.memory_space<vmem>> -> memref<1x32x128xf32, #tpu.memory_space<vmem>>
      %dma_start3A_588 = tpu.memref_squeeze %dma_start3A_587 : memref<1x32x128xf32, #tpu.memory_space<vmem>> -> memref<32x128xf32, #tpu.memory_space<vmem>>
      %dma_start3A_589 = arith.constant 0 : i32
      %dma_start3A_590 = tpu.memref_slice %arg8[%rem3A_383, %dma_start3A_583, %dma_start3A_584, %dma_start3A_589] : memref<2x1x4x32xi32, #tpu.memory_space<vmem>> -> memref<1x1x1x32xi32, #tpu.memory_space<vmem>>
      %dma_start3A_591 = tpu.memref_squeeze %dma_start3A_590 : memref<1x1x1x32xi32, #tpu.memory_space<vmem>> -> memref<32xi32, #tpu.memory_space<vmem>>
      %dma_start3A_592 = arith.constant 0 : i32
      %dma_start3A_593 = arith.constant 0 : i32
      %dma_start3A_594 = tpu.memref_slice %arg12[%dma_start3A_592, %dma_start3A_593] : memref<10000x128xf32, #tpu.memory_space<vmem_shared>> -> memref<10000x128xf32, #tpu.memory_space<vmem_shared>>
      tpu.enqueue_indirect_dma source(%dma_start3A_588 : memref<32x128xf32, #tpu.memory_space<vmem>>) target(%dma_start3A_594 : memref<10000x128xf32, #tpu.memory_space<vmem_shared>>) offsets(%dma_start3A_591 : memref<32xi32, #tpu.memory_space<vmem>>) semaphore(%arg14 : memref<!tpu.dma_semaphore, #tpu.memory_space<semaphore_mem>>) {add = true}
      %add3A_595 = arith.constant 1 : i32
      %add3A_596 = arith.addi %scan3A_382, %add3A_595 : i32
      %lt3A_597 = arith.constant 157 : i32
      %lt3A_598 = arith.cmpi slt, %add3A_596, %lt3A_597 : i32
      %convert_element_type3A_599 = arith.extui %lt3A_598 : i1 to i32
      %cond3A_600 = arith.constant 0 : i32
      %cond3A_601 = arith.cmpi ne, %convert_element_type3A_599, %cond3A_600 : i32
      scf.if %cond3A_601 {
        %dma_wait3A_602 = arith.constant 0 : i32
        %dma_wait3A_603 = arith.constant 0 : i32
        %dma_wait3A_604 = arith.constant 0 : i32
        %dma_wait3A_605 = arith.constant 0 : i32
        %dma_wait3A_606 = tpu.memref_slice %arg8[%dma_wait3A_602, %dma_wait3A_603, %dma_wait3A_604, %dma_wait3A_605] : memref<2x1x4x32xi32, #tpu.memory_space<vmem>> -> memref<1x1x4x32xi32, #tpu.memory_space<vmem>>
        %dma_wait3A_607 = tpu.memref_squeeze %dma_wait3A_606 : memref<1x1x4x32xi32, #tpu.memory_space<vmem>> -> memref<1x4x32xi32, #tpu.memory_space<vmem>>
        %dma_wait3A_608 = arith.constant 0 : i32
        %dma_wait3A_609 = arith.constant 0 : i32
        %dma_wait3A_610 = arith.constant 0 : i32
        %dma_wait3A_611 = tpu.memref_slice %arg5[%dma_wait3A_608, %dma_wait3A_609, %dma_wait3A_610] : memref<2512x4x32xi32, #tpu.memory_space<hbm>> -> memref<1x4x32xi32, #tpu.memory_space<hbm>>
        %dma_wait3A_612 = arith.constant 0 : i32
        %dma_wait3A_613 = arith.constant 0 : i32
        %dma_wait3A_614 = arith.constant 0 : i32
        %dma_wait3A_615 = tpu.memref_slice %arg8[%dma_wait3A_602, %dma_wait3A_612, %dma_wait3A_613, %dma_wait3A_614] : memref<2x1x4x32xi32, #tpu.memory_space<vmem>> -> memref<1x1x4x32xi32, #tpu.memory_space<vmem>>
        %dma_wait3A_616 = tpu.memref_squeeze %dma_wait3A_615 : memref<1x1x4x32xi32, #tpu.memory_space<vmem>> -> memref<1x4x32xi32, #tpu.memory_space<vmem>>
        %dma_wait3A_617 = arith.constant 0 : i32
        %dma_wait3A_618 = arith.constant 0 : i32
        %dma_wait3A_619 = arith.constant 0 : i32
        %dma_wait3A_620 = tpu.memref_slice %arg5[%dma_wait3A_617, %dma_wait3A_618, %dma_wait3A_619] : memref<2512x4x32xi32, #tpu.memory_space<hbm>> -> memref<1x4x32xi32, #tpu.memory_space<hbm>>
        tpu.wait_dma2 semaphore(%arg15 : memref<!tpu.dma_semaphore, #tpu.memory_space<semaphore_mem>>) src(%dma_wait3A_620 : memref<1x4x32xi32, #tpu.memory_space<hbm>>) dst(%dma_wait3A_616 : memref<1x4x32xi32, #tpu.memory_space<vmem>>)
        %dma_wait3A_621 = arith.constant 0 : i32
        %dma_wait3A_622 = arith.constant 0 : i32
        %dma_wait3A_623 = arith.constant 0 : i32
        %dma_wait3A_624 = arith.constant 0 : i32
        %dma_wait3A_625 = tpu.memref_slice %arg8[%dma_wait3A_621, %dma_wait3A_622, %dma_wait3A_623, %dma_wait3A_624] : memref<2x1x4x32xi32, #tpu.memory_space<vmem>> -> memref<1x1x4x32xi32, #tpu.memory_space<vmem>>
        %dma_wait3A_626 = tpu.memref_squeeze %dma_wait3A_625 : memref<1x1x4x32xi32, #tpu.memory_space<vmem>> -> memref<1x4x32xi32, #tpu.memory_space<vmem>>
        %dma_wait3A_627 = arith.constant 0 : i32
        %dma_wait3A_628 = arith.constant 0 : i32
        %dma_wait3A_629 = arith.constant 0 : i32
        %dma_wait3A_630 = tpu.memref_slice %arg5[%dma_wait3A_627, %dma_wait3A_628, %dma_wait3A_629] : memref<2512x4x32xi32, #tpu.memory_space<hbm>> -> memref<1x4x32xi32, #tpu.memory_space<hbm>>
        %dma_wait3A_631 = arith.constant 0 : i32
        %dma_wait3A_632 = arith.constant 0 : i32
        %dma_wait3A_633 = arith.constant 0 : i32
        %dma_wait3A_634 = tpu.memref_slice %arg8[%dma_wait3A_621, %dma_wait3A_631, %dma_wait3A_632, %dma_wait3A_633] : memref<2x1x4x32xi32, #tpu.memory_space<vmem>> -> memref<1x1x4x32xi32, #tpu.memory_space<vmem>>
        %dma_wait3A_635 = tpu.memref_squeeze %dma_wait3A_634 : memref<1x1x4x32xi32, #tpu.memory_space<vmem>> -> memref<1x4x32xi32, #tpu.memory_space<vmem>>
        %dma_wait3A_636 = arith.constant 0 : i32
        %dma_wait3A_637 = arith.constant 0 : i32
        %dma_wait3A_638 = arith.constant 0 : i32
        %dma_wait3A_639 = tpu.memref_slice %arg5[%dma_wait3A_636, %dma_wait3A_637, %dma_wait3A_638] : memref<2512x4x32xi32, #tpu.memory_space<hbm>> -> memref<1x4x32xi32, #tpu.memory_space<hbm>>
        tpu.wait_dma2 semaphore(%arg15 : memref<!tpu.dma_semaphore, #tpu.memory_space<semaphore_mem>>) src(%dma_wait3A_639 : memref<1x4x32xi32, #tpu.memory_space<hbm>>) dst(%dma_wait3A_635 : memref<1x4x32xi32, #tpu.memory_space<vmem>>)
        %get3A_640 = arith.constant 0 : i32
        %get3A_641 = arith.constant 0 : i32
        %get3A_642 = arith.index_cast %rem3A_387 : i32 to index
        %get3A_643 = arith.index_cast %get3A_640 : i32 to index
        %get3A_644 = arith.index_cast %get3A_641 : i32 to index
        %get3A_645 = arith.constant 0 : index
        %get3A_646 = tpu.vector_load %arg9[%get3A_642, %get3A_643, %get3A_644, %get3A_645] {strides = array<i32>} : memref<2x1x4x32xi32, #tpu.memory_space<vmem>>, vector<1x1x1x16xi32>,
        %get3A_647 = vector.shape_cast %get3A_646 : vector<1x1x1x16xi32> to vector<16xi32>
        %ge3A_648 = vector.broadcast %mul3A_59 : i32 to vector<16xi32>
        %ge3A_649 = arith.cmpi sge, %get3A_647, %ge3A_648 : vector<16xi32>
        %add3A_650 = arith.constant 5000 : i32
        %add3A_651 = arith.addi %mul3A_59, %add3A_650 : i32
        %lt3A_652 = vector.broadcast %add3A_651 : i32 to vector<16xi32>
        %lt3A_653 = arith.cmpi slt, %get3A_647, %lt3A_652 : vector<16xi32>
        %and3A_654 = arith.andi %ge3A_649, %lt3A_653 : vector<16xi1>
        %sub3A_655 = vector.broadcast %mul3A_59 : i32 to vector<16xi32>
        %sub3A_656 = arith.subi %get3A_647, %sub3A_655 : vector<16xi32>
        %jit3A_657 = arith.constant 5000 : i32
        %broadcast_in_dim3A_658 = vector.broadcast %jit3A_657 : i32 to vector<16xi32>
        %select_n3A_659 = arith.select %and3A_654, %sub3A_656, %broadcast_in_dim3A_658 : vector<16xi1>, vector<16xi32>
        %swap3A_660 = arith.constant 0 : i32
        %swap3A_661 = arith.constant 0 : i32
        %swap3A_662 = arith.index_cast %rem3A_387 : i32 to index
        %swap3A_663 = arith.index_cast %swap3A_660 : i32 to index
        %swap3A_664 = arith.index_cast %swap3A_661 : i32 to index
        %swap3A_665 = arith.constant 0 : index
        %swap3A_666 = tpu.vector_load %arg9[%swap3A_662, %swap3A_663, %swap3A_664, %swap3A_665] {strides = array<i32>} : memref<2x1x4x32xi32, #tpu.memory_space<vmem>>, vector<1x1x1x16xi32>,
        %swap3A_667 = vector.shape_cast %swap3A_666 : vector<1x1x1x16xi32> to vector<16xi32>
        %swap3A_668 = vector.shape_cast %select_n3A_659 : vector<16xi32> to vector<1x1x1x16xi32>
        tpu.vector_store %arg9[%swap3A_662, %swap3A_663, %swap3A_664, %swap3A_665], %swap3A_668 {strides = array<i32>} : memref<2x1x4x32xi32, #tpu.memory_space<vmem>>, vector<1x1x1x16xi32>,
        %get3A_669 = arith.constant 0 : i32
        %get3A_670 = arith.constant 0 : i32
        %get3A_671 = arith.index_cast %rem3A_387 : i32 to index
        %get3A_672 = arith.index_cast %get3A_669 : i32 to index
        %get3A_673 = arith.index_cast %get3A_670 : i32 to index
        %get3A_674 = arith.constant 16 : index
        %get3A_675 = tpu.vector_load %arg9[%get3A_671, %get3A_672, %get3A_673, %get3A_674] {strides = array<i32>} : memref<2x1x4x32xi32, #tpu.memory_space<vmem>>, vector<1x1x1x16xi32>,
        %get3A_676 = vector.shape_cast %get3A_675 : vector<1x1x1x16xi32> to vector<16xi32>
        %ge3A_677 = vector.broadcast %mul3A_59 : i32 to vector<16xi32>
        %ge3A_678 = arith.cmpi sge, %get3A_676, %ge3A_677 : vector<16xi32>
        %add3A_679 = arith.constant 5000 : i32
        %add3A_680 = arith.addi %mul3A_59, %add3A_679 : i32
        %lt3A_681 = vector.broadcast %add3A_680 : i32 to vector<16xi32>
        %lt3A_682 = arith.cmpi slt, %get3A_676, %lt3A_681 : vector<16xi32>
        %and3A_683 = arith.andi %ge3A_678, %lt3A_682 : vector<16xi1>
        %sub3A_684 = vector.broadcast %mul3A_59 : i32 to vector<16xi32>
        %sub3A_685 = arith.subi %get3A_676, %sub3A_684 : vector<16xi32>
        %jit3A_686 = arith.constant 5000 : i32
        %broadcast_in_dim3A_687 = vector.broadcast %jit3A_686 : i32 to vector<16xi32>
        %select_n3A_688 = arith.select %and3A_683, %sub3A_685, %broadcast_in_dim3A_687 : vector<16xi1>, vector<16xi32>
        %swap3A_689 = arith.constant 0 : i32
        %swap3A_690 = arith.constant 0 : i32
        %swap3A_691 = arith.index_cast %rem3A_387 : i32 to index
        %swap3A_692 = arith.index_cast %swap3A_689 : i32 to index
        %swap3A_693 = arith.index_cast %swap3A_690 : i32 to index
        %swap3A_694 = arith.constant 16 : index
        %swap3A_695 = tpu.vector_load %arg9[%swap3A_691, %swap3A_692, %swap3A_693, %swap3A_694] {strides = array<i32>} : memref<2x1x4x32xi32, #tpu.memory_space<vmem>>, vector<1x1x1x16xi32>,
        %swap3A_696 = vector.shape_cast %swap3A_695 : vector<1x1x1x16xi32> to vector<16xi32>
        %swap3A_697 = vector.shape_cast %select_n3A_688 : vector<16xi32> to vector<1x1x1x16xi32>
        tpu.vector_store %arg9[%swap3A_691, %swap3A_692, %swap3A_693, %swap3A_694], %swap3A_697 {strides = array<i32>} : memref<2x1x4x32xi32, #tpu.memory_space<vmem>>, vector<1x1x1x16xi32>,
        %get3A_698 = arith.constant 0 : i32
        %get3A_699 = arith.constant 1 : i32
        %get3A_700 = arith.index_cast %rem3A_387 : i32 to index
        %get3A_701 = arith.index_cast %get3A_698 : i32 to index
        %get3A_702 = arith.index_cast %get3A_699 : i32 to index
        %get3A_703 = arith.constant 0 : index
        %get3A_704 = tpu.vector_load %arg9[%get3A_700, %get3A_701, %get3A_702, %get3A_703] {strides = array<i32>} : memref<2x1x4x32xi32, #tpu.memory_space<vmem>>, vector<1x1x1x16xi32>,
        %get3A_705 = vector.shape_cast %get3A_704 : vector<1x1x1x16xi32> to vector<16xi32>
        %ge3A_706 = vector.broadcast %mul3A_59 : i32 to vector<16xi32>
        %ge3A_707 = arith.cmpi sge, %get3A_705, %ge3A_706 : vector<16xi32>
        %add3A_708 = arith.constant 5000 : i32
        %add3A_709 = arith.addi %mul3A_59, %add3A_708 : i32
        %lt3A_710 = vector.broadcast %add3A_709 : i32 to vector<16xi32>
        %lt3A_711 = arith.cmpi slt, %get3A_705, %lt3A_710 : vector<16xi32>
        %and3A_712 = arith.andi %ge3A_707, %lt3A_711 : vector<16xi1>
        %sub3A_713 = vector.broadcast %mul3A_59 : i32 to vector<16xi32>
        %sub3A_714 = arith.subi %get3A_705, %sub3A_713 : vector<16xi32>
        %jit3A_715 = arith.constant 5000 : i32
        %broadcast_in_dim3A_716 = vector.broadcast %jit3A_715 : i32 to vector<16xi32>
        %select_n3A_717 = arith.select %and3A_712, %sub3A_714, %broadcast_in_dim3A_716 : vector<16xi1>, vector<16xi32>
        %swap3A_718 = arith.constant 0 : i32
        %swap3A_719 = arith.constant 1 : i32
        %swap3A_720 = arith.index_cast %rem3A_387 : i32 to index
        %swap3A_721 = arith.index_cast %swap3A_718 : i32 to index
        %swap3A_722 = arith.index_cast %swap3A_719 : i32 to index
        %swap3A_723 = arith.constant 0 : index
        %swap3A_724 = tpu.vector_load %arg9[%swap3A_720, %swap3A_721, %swap3A_722, %swap3A_723] {strides = array<i32>} : memref<2x1x4x32xi32, #tpu.memory_space<vmem>>, vector<1x1x1x16xi32>,
        %swap3A_725 = vector.shape_cast %swap3A_724 : vector<1x1x1x16xi32> to vector<16xi32>
        %swap3A_726 = vector.shape_cast %select_n3A_717 : vector<16xi32> to vector<1x1x1x16xi32>
        tpu.vector_store %arg9[%swap3A_720, %swap3A_721, %swap3A_722, %swap3A_723], %swap3A_726 {strides = array<i32>} : memref<2x1x4x32xi32, #tpu.memory_space<vmem>>, vector<1x1x1x16xi32>,
        %get3A_727 = arith.constant 0 : i32
        %get3A_728 = arith.constant 1 : i32
        %get3A_729 = arith.index_cast %rem3A_387 : i32 to index
        %get3A_730 = arith.index_cast %get3A_727 : i32 to index
        %get3A_731 = arith.index_cast %get3A_728 : i32 to index
        %get3A_732 = arith.constant 16 : index
        %get3A_733 = tpu.vector_load %arg9[%get3A_729, %get3A_730, %get3A_731, %get3A_732] {strides = array<i32>} : memref<2x1x4x32xi32, #tpu.memory_space<vmem>>, vector<1x1x1x16xi32>,
        %get3A_734 = vector.shape_cast %get3A_733 : vector<1x1x1x16xi32> to vector<16xi32>
        %ge3A_735 = vector.broadcast %mul3A_59 : i32 to vector<16xi32>
        %ge3A_736 = arith.cmpi sge, %get3A_734, %ge3A_735 : vector<16xi32>
        %add3A_737 = arith.constant 5000 : i32
        %add3A_738 = arith.addi %mul3A_59, %add3A_737 : i32
        %lt3A_739 = vector.broadcast %add3A_738 : i32 to vector<16xi32>
        %lt3A_740 = arith.cmpi slt, %get3A_734, %lt3A_739 : vector<16xi32>
        %and3A_741 = arith.andi %ge3A_736, %lt3A_740 : vector<16xi1>
        %sub3A_742 = vector.broadcast %mul3A_59 : i32 to vector<16xi32>
        %sub3A_743 = arith.subi %get3A_734, %sub3A_742 : vector<16xi32>
        %jit3A_744 = arith.constant 5000 : i32
        %broadcast_in_dim3A_745 = vector.broadcast %jit3A_744 : i32 to vector<16xi32>
        %select_n3A_746 = arith.select %and3A_741, %sub3A_743, %broadcast_in_dim3A_745 : vector<16xi1>, vector<16xi32>
        %swap3A_747 = arith.constant 0 : i32
        %swap3A_748 = arith.constant 1 : i32
        %swap3A_749 = arith.index_cast %rem3A_387 : i32 to index
        %swap3A_750 = arith.index_cast %swap3A_747 : i32 to index
        %swap3A_751 = arith.index_cast %swap3A_748 : i32 to index
        %swap3A_752 = arith.constant 16 : index
        %swap3A_753 = tpu.vector_load %arg9[%swap3A_749, %swap3A_750, %swap3A_751, %swap3A_752] {strides = array<i32>} : memref<2x1x4x32xi32, #tpu.memory_space<vmem>>, vector<1x1x1x16xi32>,
        %swap3A_754 = vector.shape_cast %swap3A_753 : vector<1x1x1x16xi32> to vector<16xi32>
        %swap3A_755 = vector.shape_cast %select_n3A_746 : vector<16xi32> to vector<1x1x1x16xi32>
        tpu.vector_store %arg9[%swap3A_749, %swap3A_750, %swap3A_751, %swap3A_752], %swap3A_755 {strides = array<i32>} : memref<2x1x4x32xi32, #tpu.memory_space<vmem>>, vector<1x1x1x16xi32>,
        %get3A_756 = arith.constant 0 : i32
        %get3A_757 = arith.constant 2 : i32
        %get3A_758 = arith.index_cast %rem3A_387 : i32 to index
        %get3A_759 = arith.index_cast %get3A_756 : i32 to index
        %get3A_760 = arith.index_cast %get3A_757 : i32 to index
        %get3A_761 = arith.constant 0 : index
        %get3A_762 = tpu.vector_load %arg9[%get3A_758, %get3A_759, %get3A_760, %get3A_761] {strides = array<i32>} : memref<2x1x4x32xi32, #tpu.memory_space<vmem>>, vector<1x1x1x16xi32>,
        %get3A_763 = vector.shape_cast %get3A_762 : vector<1x1x1x16xi32> to vector<16xi32>
        %ge3A_764 = vector.broadcast %mul3A_59 : i32 to vector<16xi32>
        %ge3A_765 = arith.cmpi sge, %get3A_763, %ge3A_764 : vector<16xi32>
        %add3A_766 = arith.constant 5000 : i32
        %add3A_767 = arith.addi %mul3A_59, %add3A_766 : i32
        %lt3A_768 = vector.broadcast %add3A_767 : i32 to vector<16xi32>
        %lt3A_769 = arith.cmpi slt, %get3A_763, %lt3A_768 : vector<16xi32>
        %and3A_770 = arith.andi %ge3A_765, %lt3A_769 : vector<16xi1>
        %sub3A_771 = vector.broadcast %mul3A_59 : i32 to vector<16xi32>
        %sub3A_772 = arith.subi %get3A_763, %sub3A_771 : vector<16xi32>
        %jit3A_773 = arith.constant 5000 : i32
        %broadcast_in_dim3A_774 = vector.broadcast %jit3A_773 : i32 to vector<16xi32>
        %select_n3A_775 = arith.select %and3A_770, %sub3A_772, %broadcast_in_dim3A_774 : vector<16xi1>, vector<16xi32>
        %swap3A_776 = arith.constant 0 : i32
        %swap3A_777 = arith.constant 2 : i32
        %swap3A_778 = arith.index_cast %rem3A_387 : i32 to index
        %swap3A_779 = arith.index_cast %swap3A_776 : i32 to index
        %swap3A_780 = arith.index_cast %swap3A_777 : i32 to index
        %swap3A_781 = arith.constant 0 : index
        %swap3A_782 = tpu.vector_load %arg9[%swap3A_778, %swap3A_779, %swap3A_780, %swap3A_781] {strides = array<i32>} : memref<2x1x4x32xi32, #tpu.memory_space<vmem>>, vector<1x1x1x16xi32>,
        %swap3A_783 = vector.shape_cast %swap3A_782 : vector<1x1x1x16xi32> to vector<16xi32>
        %swap3A_784 = vector.shape_cast %select_n3A_775 : vector<16xi32> to vector<1x1x1x16xi32>
        tpu.vector_store %arg9[%swap3A_778, %swap3A_779, %swap3A_780, %swap3A_781], %swap3A_784 {strides = array<i32>} : memref<2x1x4x32xi32, #tpu.memory_space<vmem>>, vector<1x1x1x16xi32>,
        %get3A_785 = arith.constant 0 : i32
        %get3A_786 = arith.constant 2 : i32
        %get3A_787 = arith.index_cast %rem3A_387 : i32 to index
        %get3A_788 = arith.index_cast %get3A_785 : i32 to index
        %get3A_789 = arith.index_cast %get3A_786 : i32 to index
        %get3A_790 = arith.constant 16 : index
        %get3A_791 = tpu.vector_load %arg9[%get3A_787, %get3A_788, %get3A_789, %get3A_790] {strides = array<i32>} : memref<2x1x4x32xi32, #tpu.memory_space<vmem>>, vector<1x1x1x16xi32>,
        %get3A_792 = vector.shape_cast %get3A_791 : vector<1x1x1x16xi32> to vector<16xi32>
        %ge3A_793 = vector.broadcast %mul3A_59 : i32 to vector<16xi32>
        %ge3A_794 = arith.cmpi sge, %get3A_792, %ge3A_793 : vector<16xi32>
        %add3A_795 = arith.constant 5000 : i32
        %add3A_796 = arith.addi %mul3A_59, %add3A_795 : i32
        %lt3A_797 = vector.broadcast %add3A_796 : i32 to vector<16xi32>
        %lt3A_798 = arith.cmpi slt, %get3A_792, %lt3A_797 : vector<16xi32>
        %and3A_799 = arith.andi %ge3A_794, %lt3A_798 : vector<16xi1>
        %sub3A_800 = vector.broadcast %mul3A_59 : i32 to vector<16xi32>
        %sub3A_801 = arith.subi %get3A_792, %sub3A_800 : vector<16xi32>
        %jit3A_802 = arith.constant 5000 : i32
        %broadcast_in_dim3A_803 = vector.broadcast %jit3A_802 : i32 to vector<16xi32>
        %select_n3A_804 = arith.select %and3A_799, %sub3A_801, %broadcast_in_dim3A_803 : vector<16xi1>, vector<16xi32>
        %swap3A_805 = arith.constant 0 : i32
        %swap3A_806 = arith.constant 2 : i32
        %swap3A_807 = arith.index_cast %rem3A_387 : i32 to index
        %swap3A_808 = arith.index_cast %swap3A_805 : i32 to index
        %swap3A_809 = arith.index_cast %swap3A_806 : i32 to index
        %swap3A_810 = arith.constant 16 : index
        %swap3A_811 = tpu.vector_load %arg9[%swap3A_807, %swap3A_808, %swap3A_809, %swap3A_810] {strides = array<i32>} : memref<2x1x4x32xi32, #tpu.memory_space<vmem>>, vector<1x1x1x16xi32>,
        %swap3A_812 = vector.shape_cast %swap3A_811 : vector<1x1x1x16xi32> to vector<16xi32>
        %swap3A_813 = vector.shape_cast %select_n3A_804 : vector<16xi32> to vector<1x1x1x16xi32>
        tpu.vector_store %arg9[%swap3A_807, %swap3A_808, %swap3A_809, %swap3A_810], %swap3A_813 {strides = array<i32>} : memref<2x1x4x32xi32, #tpu.memory_space<vmem>>, vector<1x1x1x16xi32>,
        %get3A_814 = arith.constant 0 : i32
        %get3A_815 = arith.constant 3 : i32
        %get3A_816 = arith.index_cast %rem3A_387 : i32 to index
        %get3A_817 = arith.index_cast %get3A_814 : i32 to index
        %get3A_818 = arith.index_cast %get3A_815 : i32 to index
        %get3A_819 = arith.constant 0 : index
        %get3A_820 = tpu.vector_load %arg9[%get3A_816, %get3A_817, %get3A_818, %get3A_819] {strides = array<i32>} : memref<2x1x4x32xi32, #tpu.memory_space<vmem>>, vector<1x1x1x16xi32>,
        %get3A_821 = vector.shape_cast %get3A_820 : vector<1x1x1x16xi32> to vector<16xi32>
        %ge3A_822 = vector.broadcast %mul3A_59 : i32 to vector<16xi32>
        %ge3A_823 = arith.cmpi sge, %get3A_821, %ge3A_822 : vector<16xi32>
        %add3A_824 = arith.constant 5000 : i32
        %add3A_825 = arith.addi %mul3A_59, %add3A_824 : i32
        %lt3A_826 = vector.broadcast %add3A_825 : i32 to vector<16xi32>
        %lt3A_827 = arith.cmpi slt, %get3A_821, %lt3A_826 : vector<16xi32>
        %and3A_828 = arith.andi %ge3A_823, %lt3A_827 : vector<16xi1>
        %sub3A_829 = vector.broadcast %mul3A_59 : i32 to vector<16xi32>
        %sub3A_830 = arith.subi %get3A_821, %sub3A_829 : vector<16xi32>
        %jit3A_831 = arith.constant 5000 : i32
        %broadcast_in_dim3A_832 = vector.broadcast %jit3A_831 : i32 to vector<16xi32>
        %select_n3A_833 = arith.select %and3A_828, %sub3A_830, %broadcast_in_dim3A_832 : vector<16xi1>, vector<16xi32>
        %swap3A_834 = arith.constant 0 : i32
        %swap3A_835 = arith.constant 3 : i32
        %swap3A_836 = arith.index_cast %rem3A_387 : i32 to index
        %swap3A_837 = arith.index_cast %swap3A_834 : i32 to index
        %swap3A_838 = arith.index_cast %swap3A_835 : i32 to index
        %swap3A_839 = arith.constant 0 : index
        %swap3A_840 = tpu.vector_load %arg9[%swap3A_836, %swap3A_837, %swap3A_838, %swap3A_839] {strides = array<i32>} : memref<2x1x4x32xi32, #tpu.memory_space<vmem>>, vector<1x1x1x16xi32>,
        %swap3A_841 = vector.shape_cast %swap3A_840 : vector<1x1x1x16xi32> to vector<16xi32>
        %swap3A_842 = vector.shape_cast %select_n3A_833 : vector<16xi32> to vector<1x1x1x16xi32>
        tpu.vector_store %arg9[%swap3A_836, %swap3A_837, %swap3A_838, %swap3A_839], %swap3A_842 {strides = array<i32>} : memref<2x1x4x32xi32, #tpu.memory_space<vmem>>, vector<1x1x1x16xi32>,
        %get3A_843 = arith.constant 0 : i32
        %get3A_844 = arith.constant 3 : i32
        %get3A_845 = arith.index_cast %rem3A_387 : i32 to index
        %get3A_846 = arith.index_cast %get3A_843 : i32 to index
        %get3A_847 = arith.index_cast %get3A_844 : i32 to index
        %get3A_848 = arith.constant 16 : index
        %get3A_849 = tpu.vector_load %arg9[%get3A_845, %get3A_846, %get3A_847, %get3A_848] {strides = array<i32>} : memref<2x1x4x32xi32, #tpu.memory_space<vmem>>, vector<1x1x1x16xi32>,
        %get3A_850 = vector.shape_cast %get3A_849 : vector<1x1x1x16xi32> to vector<16xi32>
        %ge3A_851 = vector.broadcast %mul3A_59 : i32 to vector<16xi32>
        %ge3A_852 = arith.cmpi sge, %get3A_850, %ge3A_851 : vector<16xi32>
        %add3A_853 = arith.constant 5000 : i32
        %add3A_854 = arith.addi %mul3A_59, %add3A_853 : i32
        %lt3A_855 = vector.broadcast %add3A_854 : i32 to vector<16xi32>
        %lt3A_856 = arith.cmpi slt, %get3A_850, %lt3A_855 : vector<16xi32>
        %and3A_857 = arith.andi %ge3A_852, %lt3A_856 : vector<16xi1>
        %sub3A_858 = vector.broadcast %mul3A_59 : i32 to vector<16xi32>
        %sub3A_859 = arith.subi %get3A_850, %sub3A_858 : vector<16xi32>
        %jit3A_860 = arith.constant 5000 : i32
        %broadcast_in_dim3A_861 = vector.broadcast %jit3A_860 : i32 to vector<16xi32>
        %select_n3A_862 = arith.select %and3A_857, %sub3A_859, %broadcast_in_dim3A_861 : vector<16xi1>, vector<16xi32>
        %swap3A_863 = arith.constant 0 : i32
        %swap3A_864 = arith.constant 3 : i32
        %swap3A_865 = arith.index_cast %rem3A_387 : i32 to index
        %swap3A_866 = arith.index_cast %swap3A_863 : i32 to index
        %swap3A_867 = arith.index_cast %swap3A_864 : i32 to index
        %swap3A_868 = arith.constant 16 : index
        %swap3A_869 = tpu.vector_load %arg9[%swap3A_865, %swap3A_866, %swap3A_867, %swap3A_868] {strides = array<i32>} : memref<2x1x4x32xi32, #tpu.memory_space<vmem>>, vector<1x1x1x16xi32>,
        %swap3A_870 = vector.shape_cast %swap3A_869 : vector<1x1x1x16xi32> to vector<16xi32>
        %swap3A_871 = vector.shape_cast %select_n3A_862 : vector<16xi32> to vector<1x1x1x16xi32>
        tpu.vector_store %arg9[%swap3A_865, %swap3A_866, %swap3A_867, %swap3A_868], %swap3A_871 {strides = array<i32>} : memref<2x1x4x32xi32, #tpu.memory_space<vmem>>, vector<1x1x1x16xi32>,
        %dma_start3A_872 = arith.constant 0 : i32
        %dma_start3A_873 = arith.constant 0 : i32
        %dma_start3A_874 = arith.constant 0 : i32
        %dma_start3A_875 = arith.constant 0 : i32
        %dma_start3A_876 = arith.constant 0 : i32
        %dma_start3A_877 = tpu.memref_slice %arg10[%dma_start3A_874, %dma_start3A_875, %dma_start3A_876] : memref<2x32x128xf32, #tpu.memory_space<vmem>> -> memref<1x32x128xf32, #tpu.memory_space<vmem>>
        %dma_start3A_878 = tpu.memref_squeeze %dma_start3A_877 : memref<1x32x128xf32, #tpu.memory_space<vmem>> -> memref<32x128xf32, #tpu.memory_space<vmem>>
        %dma_start3A_879 = arith.constant 0 : i32
        %dma_start3A_880 = tpu.memref_slice %arg9[%rem3A_387, %dma_start3A_872, %dma_start3A_873, %dma_start3A_879] : memref<2x1x4x32xi32, #tpu.memory_space<vmem>> -> memref<1x1x1x32xi32, #tpu.memory_space<vmem>>
        %dma_start3A_881 = tpu.memref_squeeze %dma_start3A_880 : memref<1x1x1x32xi32, #tpu.memory_space<vmem>> -> memref<32xi32, #tpu.memory_space<vmem>>
        %dma_start3A_882 = arith.constant 0 : i32
        %dma_start3A_883 = arith.constant 0 : i32
        %dma_start3A_884 = tpu.memref_slice %arg11[%dma_start3A_882, %dma_start3A_883] : memref<5008x128xf32, #tpu.memory_space<vmem_shared>> -> memref<5008x128xf32, #tpu.memory_space<vmem_shared>>
        tpu.enqueue_indirect_dma source(%dma_start3A_884 : memref<5008x128xf32, #tpu.memory_space<vmem_shared>>) target(%dma_start3A_878 : memref<32x128xf32, #tpu.memory_space<vmem>>) offsets(%dma_start3A_881 : memref<32xi32, #tpu.memory_space<vmem>>) semaphore(%arg13 : memref<!tpu.dma_semaphore, #tpu.memory_space<semaphore_mem>>)
      } else {
      }
    }
    %scan3A_355 = arith.constant 157 : i32
    %dma_wait3A_356 = arith.constant 0 : i32
    %dma_wait3A_357 = arith.constant 0 : i32
    %dma_wait3A_358 = arith.constant 0 : i32
    %dma_wait3A_359 = tpu.memref_slice %arg10[%dma_wait3A_356, %dma_wait3A_357, %dma_wait3A_358] : memref<2x32x128xf32, #tpu.memory_space<vmem>> -> memref<1x32x128xf32, #tpu.memory_space<vmem>>
    %dma_wait3A_360 = tpu.memref_squeeze %dma_wait3A_359 : memref<1x32x128xf32, #tpu.memory_space<vmem>> -> memref<32x128xf32, #tpu.memory_space<vmem>>
    %dma_wait3A_361 = arith.constant 0 : i32
    %dma_wait3A_362 = arith.constant 0 : i32
    %dma_wait3A_363 = tpu.memref_slice %arg2[%dma_wait3A_361, %dma_wait3A_362] : memref<10000x128xf32, #tpu.memory_space<hbm>> -> memref<32x128xf32, #tpu.memory_space<hbm>>
    %dma_wait3A_364 = arith.constant 0 : i32
    %dma_wait3A_365 = arith.constant 0 : i32
    %dma_wait3A_366 = tpu.memref_slice %arg10[%dma_wait3A_356, %dma_wait3A_364, %dma_wait3A_365] : memref<2x32x128xf32, #tpu.memory_space<vmem>> -> memref<1x32x128xf32, #tpu.memory_space<vmem>>
    %dma_wait3A_367 = tpu.memref_squeeze %dma_wait3A_366 : memref<1x32x128xf32, #tpu.memory_space<vmem>> -> memref<32x128xf32, #tpu.memory_space<vmem>>
    %dma_wait3A_368 = arith.constant 0 : i32
    %dma_wait3A_369 = arith.constant 0 : i32
    %dma_wait3A_370 = tpu.memref_slice %arg2[%dma_wait3A_368, %dma_wait3A_369] : memref<10000x128xf32, #tpu.memory_space<hbm>> -> memref<32x128xf32, #tpu.memory_space<hbm>>
    tpu.wait_dma2 semaphore(%arg14 : memref<!tpu.dma_semaphore, #tpu.memory_space<semaphore_mem>>) src(%dma_wait3A_370 : memref<32x128xf32, #tpu.memory_space<hbm>>) dst(%dma_wait3A_367 : memref<32x128xf32, #tpu.memory_space<vmem>>)
    %barrier3A_371 = arith.constant 0 : index
    tpu.barrier barrier_id(%barrier3A_371)
    %lt3A_372 = arith.constant 15 : i32
    %lt3A_373 = arith.cmpi slt, %arg1, %lt3A_372 : i32
    %convert_element_type3A_374 = arith.extui %lt3A_373 : i1 to i32
    %cond3A_375 = arith.constant 0 : i32
    %cond3A_376 = arith.cmpi ne, %convert_element_type3A_374, %cond3A_375 : i32
    scf.if %cond3A_376 {
      %mul3A_382 = arith.constant 632 : i32
      %mul3A_383 = arith.muli %arg1, %mul3A_382 : i32
      %mul3A_384 = arith.constant 632 : i32
      %mul3A_385 = arith.muli %arg1, %mul3A_384 : i32
      "tpu.region"() ({
        %run_scoped3A = tpu.sem_alloc : memref<!tpu.dma_semaphore, #tpu.memory_space<semaphore_mem>>
        %dma_start3A_386 = arith.constant 0 : i32
        %dma_start3A_387 = tpu.memref_slice %arg7[%arg0, %mul3A_385, %dma_start3A_386] : memref<2x10000x128xf32, #tpu.memory_space<hbm>> -> memref<1x632x128xf32, #tpu.memory_space<hbm>>
        %dma_start3A_388 = tpu.memref_squeeze %dma_start3A_387 : memref<1x632x128xf32, #tpu.memory_space<hbm>> -> memref<632x128xf32, #tpu.memory_space<hbm>>
        %dma_start3A_389 = arith.constant 0 : i32
        %dma_start3A_390 = tpu.memref_slice %arg12[%mul3A_383, %dma_start3A_389] : memref<10000x128xf32, #tpu.memory_space<vmem_shared>> -> memref<632x128xf32, #tpu.memory_space<vmem_shared>>
        tpu.enqueue_dma source(%dma_start3A_390 : memref<632x128xf32, #tpu.memory_space<vmem_shared>>) target(%dma_start3A_388 : memref<632x128xf32, #tpu.memory_space<hbm>>) target_semaphore(%run_scoped3A : memref<!tpu.dma_semaphore, #tpu.memory_space<semaphore_mem>>)
        %dma_wait3A_391 = arith.constant 0 : i32
        %dma_wait3A_392 = tpu.memref_slice %arg7[%arg0, %mul3A_385, %dma_wait3A_391] : memref<2x10000x128xf32, #tpu.memory_space<hbm>> -> memref<1x632x128xf32, #tpu.memory_space<hbm>>
        %dma_wait3A_393 = tpu.memref_squeeze %dma_wait3A_392 : memref<1x632x128xf32, #tpu.memory_space<hbm>> -> memref<632x128xf32, #tpu.memory_space<hbm>>
        %dma_wait3A_394 = arith.constant 0 : i32
        %dma_wait3A_395 = tpu.memref_slice %arg12[%mul3A_383, %dma_wait3A_394] : memref<10000x128xf32, #tpu.memory_space<vmem_shared>> -> memref<632x128xf32, #tpu.memory_space<vmem_shared>>
        tpu.wait_dma2 semaphore(%run_scoped3A : memref<!tpu.dma_semaphore, #tpu.memory_space<semaphore_mem>>) src(%dma_wait3A_395 : memref<632x128xf32, #tpu.memory_space<vmem_shared>>) dst(%dma_wait3A_393 : memref<632x128xf32, #tpu.memory_space<hbm>>)
        tpu.yield
      }) : () -> ()
    } else {
    }
    %eq3A_377 = arith.constant 15 : i32
    %eq3A_378 = arith.cmpi eq, %arg1, %eq3A_377 : i32
    %convert_element_type3A_379 = arith.extui %eq3A_378 : i1 to i32
    %cond3A_380 = arith.constant 0 : i32
    %cond3A_381 = arith.cmpi ne, %convert_element_type3A_379, %cond3A_380 : i32
    scf.if %cond3A_381 {
      "tpu.region"() ({
        %run_scoped3A = tpu.sem_alloc : memref<!tpu.dma_semaphore, #tpu.memory_space<semaphore_mem>>
        %dma_start3A_382 = arith.constant 9480 : i32
        %dma_start3A_383 = arith.constant 0 : i32
        %dma_start3A_384 = tpu.memref_slice %arg7[%arg0, %dma_start3A_382, %dma_start3A_383] : memref<2x10000x128xf32, #tpu.memory_space<hbm>> -> memref<1x520x128xf32, #tpu.memory_space<hbm>>
        %dma_start3A_385 = tpu.memref_squeeze %dma_start3A_384 : memref<1x520x128xf32, #tpu.memory_space<hbm>> -> memref<520x128xf32, #tpu.memory_space<hbm>>
        %dma_start3A_386 = arith.constant 9480 : i32
        %dma_start3A_387 = arith.constant 0 : i32
        %dma_start3A_388 = tpu.memref_slice %arg12[%dma_start3A_386, %dma_start3A_387] : memref<10000x128xf32, #tpu.memory_space<vmem_shared>> -> memref<520x128xf32, #tpu.memory_space<vmem_shared>>
        tpu.enqueue_dma source(%dma_start3A_388 : memref<520x128xf32, #tpu.memory_space<vmem_shared>>) target(%dma_start3A_385 : memref<520x128xf32, #tpu.memory_space<hbm>>) target_semaphore(%run_scoped3A : memref<!tpu.dma_semaphore, #tpu.memory_space<semaphore_mem>>)
        %dma_wait3A_389 = arith.constant 9480 : i32
        %dma_wait3A_390 = arith.constant 0 : i32
        %dma_wait3A_391 = tpu.memref_slice %arg7[%arg0, %dma_wait3A_389, %dma_wait3A_390] : memref<2x10000x128xf32, #tpu.memory_space<hbm>> -> memref<1x520x128xf32, #tpu.memory_space<hbm>>
        %dma_wait3A_392 = tpu.memref_squeeze %dma_wait3A_391 : memref<1x520x128xf32, #tpu.memory_space<hbm>> -> memref<520x128xf32, #tpu.memory_space<hbm>>
        %dma_wait3A_393 = arith.constant 9480 : i32
        %dma_wait3A_394 = arith.constant 0 : i32
        %dma_wait3A_395 = tpu.memref_slice %arg12[%dma_wait3A_393, %dma_wait3A_394] : memref<10000x128xf32, #tpu.memory_space<vmem_shared>> -> memref<520x128xf32, #tpu.memory_space<vmem_shared>>
        tpu.wait_dma2 semaphore(%run_scoped3A : memref<!tpu.dma_semaphore, #tpu.memory_space<semaphore_mem>>) src(%dma_wait3A_395 : memref<520x128xf32, #tpu.memory_space<vmem_shared>>) dst(%dma_wait3A_392 : memref<520x128xf32, #tpu.memory_space<hbm>>)
        tpu.yield
      }) : () -> ()
    } else {
    }
    return
  }
}

module attributes {stable_mosaic.version = 14 : i64} {
  func.func @_tc_body(%arg0: i32, %arg1: memref<1000x128xf32, #tpu.memory_space<vmem>>, %arg2: memref<128x128xf32, #tpu.memory_space<vmem>>, %arg3: memref<128x128xf32, #tpu.memory_space<vmem>>, %arg4: memref<1x128xf32, #tpu.memory_space<vmem>>, %arg5: memref<1000x128xf32, #tpu.memory_space<vmem>>, %arg6: memref<1000x128xf32, #tpu.memory_space<vmem>>) attributes {dimension_semantics = [#tpu.dimension_semantics<arbitrary>], iteration_bounds = array<i64: 10>, scalar_prefetch = 0 : i64, scratch_operands = 0 : i64, tpu.core_type = #tpu.core_type<tc>, window_params = [{transform_indices = @transform_0, window_bounds = array<i64: 1000, 128>}, {pipeline_mode = #tpu.pipeline_mode<synchronous>, transform_indices = @transform_1, window_bounds = array<i64: 128, 128>}, {pipeline_mode = #tpu.pipeline_mode<synchronous>, transform_indices = @transform_2, window_bounds = array<i64: 128, 128>}, {pipeline_mode = #tpu.pipeline_mode<synchronous>, transform_indices = @transform_3, window_bounds = array<i64: 1, 128>}, {transform_indices = @transform_4, window_bounds = array<i64: 1000, 128>}, {transform_indices = @transform_5, window_bounds = array<i64: 1000, 128>}]} {
    %get3A = arith.constant 0 : index
    %get3A_0 = arith.constant 0 : index
    %get3A_1 = vector.load %arg1[%get3A, %get3A_0] : memref<1000x128xf32, #tpu.memory_space<vmem>>, vector<1000x128xf32>
    %get3A_2 = arith.constant 0 : index
    %get3A_3 = arith.constant 0 : index
    %get3A_4 = vector.load %arg2[%get3A_2, %get3A_3] : memref<128x128xf32, #tpu.memory_space<vmem>>, vector<128x128xf32>
    %dot_general3A = arith.constant dense<0.000000e+00> : vector<1000x128xf32>
    %dot_general3A_5 = tpu.matmul %get3A_1, %get3A_4, %dot_general3A {dimension_numbers = #tpu.dot_dimension_numbers<[1], [0], [0], [1], [0, 0, 1, 1], [], []>, transpose_lhs_hint = false} : vector<1000x128xf32>, vector<128x128xf32>, vector<1000x128xf32> -> vector<1000x128xf32>
    %swap3A = arith.constant 0 : index
    %swap3A_6 = arith.constant 0 : index
    %swap3A_7 = vector.load %arg5[%swap3A, %swap3A_6] : memref<1000x128xf32, #tpu.memory_space<vmem>>, vector<1000x128xf32>
    tpu.vector_store %arg5[%swap3A, %swap3A_6], %dot_general3A_5 {strides = array<i32>} : memref<1000x128xf32, #tpu.memory_space<vmem>>, vector<1000x128xf32>,
    %get3A_8 = arith.constant 0 : index
    %get3A_9 = arith.constant 0 : index
    %get3A_10 = vector.load %arg3[%get3A_8, %get3A_9] : memref<128x128xf32, #tpu.memory_space<vmem>>, vector<128x128xf32>
    %dot_general3A_11 = arith.constant dense<0.000000e+00> : vector<1000x128xf32>
    %dot_general3A_12 = tpu.matmul %get3A_1, %get3A_10, %dot_general3A_11 {dimension_numbers = #tpu.dot_dimension_numbers<[1], [0], [0], [1], [0, 0, 1, 1], [], []>, transpose_lhs_hint = false} : vector<1000x128xf32>, vector<128x128xf32>, vector<1000x128xf32> -> vector<1000x128xf32>
    %get3A_13 = arith.constant 0 : index
    %get3A_14 = arith.constant 0 : index
    %get3A_15 = vector.load %arg4[%get3A_13, %get3A_14] : memref<1x128xf32, #tpu.memory_space<vmem>>, vector<1x128xf32>
    %add3A = vector.broadcast %get3A_15 : vector<1x128xf32> to vector<1000x128xf32>
    %add3A_16 = arith.addf %dot_general3A_12, %add3A : vector<1000x128xf32>
    %swap3A_17 = arith.constant 0 : index
    %swap3A_18 = arith.constant 0 : index
    %swap3A_19 = vector.load %arg6[%swap3A_17, %swap3A_18] : memref<1000x128xf32, #tpu.memory_space<vmem>>, vector<1000x128xf32>
    tpu.vector_store %arg6[%swap3A_17, %swap3A_18], %add3A_16 {strides = array<i32>} : memref<1000x128xf32, #tpu.memory_space<vmem>>, vector<1000x128xf32>,
    return
  }
  func.func @transform_0(%arg0: i32) -> (i32, i32) {
    %c0_i32 = arith.constant 0 : i32
    %c0_i32_0 = arith.constant 0 : i32
    return %arg0, %c0_i32 : i32, i32
  }
  func.func @transform_1(%arg0: i32) -> (i32, i32) {
    %c0_i32 = arith.constant 0 : i32
    %c0_i32_0 = arith.constant 0 : i32
    %c0_i32_1 = arith.constant 0 : i32
    return %c0_i32, %c0_i32_0 : i32, i32
  }
  func.func @transform_2(%arg0: i32) -> (i32, i32) {
    %c0_i32 = arith.constant 0 : i32
    %c0_i32_0 = arith.constant 0 : i32
    %c0_i32_1 = arith.constant 0 : i32
    return %c0_i32, %c0_i32_0 : i32, i32
  }
  func.func @transform_3(%arg0: i32) -> (i32, i32) {
    %c0_i32 = arith.constant 0 : i32
    %c0_i32_0 = arith.constant 0 : i32
    %c0_i32_1 = arith.constant 0 : i32
    return %c0_i32, %c0_i32_0 : i32, i32
  }
  func.func @transform_4(%arg0: i32) -> (i32, i32) {
    %c0_i32 = arith.constant 0 : i32
    %c0_i32_0 = arith.constant 0 : i32
    return %arg0, %c0_i32 : i32, i32
  }
  func.func @transform_5(%arg0: i32) -> (i32, i32) {
    %c0_i32 = arith.constant 0 : i32
    %c0_i32_0 = arith.constant 0 : i32
    return %arg0, %c0_i32 : i32, i32
  }
}

</mosaic_0001>

<sc_bundles>
// kernel: kernel.4.cloned.1.call-start
scs
__scs_entry_jumppad:
0x0: {  	(pc) =	sbr.rel $0x88, $3  }
0x1: {  	(tag) =	ssettag $0x0;
	lr =	simm.s32 $0x1  }
0x2: {  	[smem:$0x3F9C] =	sst lr;
	_ =	strace $0xD0000000  }
0x3: {  	_ = 	snop  }
0x4: {  	_ = 	snop  }
0x5: {  	_ = 	snop  }
0x6: {  	_ = 	snop  }
0x7: {  	_ = 	snop  }
__scs_overlays_trampoline_lowered:
0x8: {  	[smem:$0x3FAB] =	sst s0  }
0x9: {  	[smem:$0x3FAC] =	sst s1  }
0xa: {  	[smem:$0x3FAD] =	sst s2  }
0xb: {  	[smem:$0x3FAE] =	sst s3  }
0xc: {  	[smem:$0x3FAF] =	sst s4  }
0xd: {  	[smem:$0x3FB0] =	sst s5  }
0xe: {  	[smem:$0x3FB1] =	sst s6  }
0xf: {  	[smem:$0x3FB2] =	sst s7  }
0x10: {  	[smem:$0x3FB3] =	sst s8  }
0x11: {  	[smem:$0x3FB4] =	sst s9;
	s0 =	simm.s32 @!p0 $0x0  }
0x12: {  	s1 =	sld [smem:$0x3F9A];
	s0 =	simm.s32 @p0 $0x1  }
0x13: {  	[smem:$0x3FB5] =	sst s0;
	s0 =	simm.s32 @!p1 $0x0  }
0x14: {  	s2 =	sld [smem:$0x3F99];
	s0 =	simm.s32 @p1 $0x1  }
0x15: {  	[smem:$0x3FB6] =	sst s0;
	s0 =	simm.s32 @!p2 $0x0  }
0x16: {  	s3 =	sld [smem:$0x3FDB];
	s0 =	simm.s32 @p2 $0x1  }
0x17: {  	s4 =	simm.s32 $0x1BF5;
	[smem:$0x3FB8] =	sst s0  }
0x18: {  	s0 =	sld [smem:$0x3F9B];
	_ =	swait.ge [sflag:s4], $0x0  }
0x19: {  	s7 =	sld [smem:$0x3F9C]  }
0x1a: {  	s8 =	sadd.s32 $0xFFFFE003, lr  }
0x1b: {  	s9 =	sadd.s32 $0xFFFFFEF7, lr;
	s5 =	simm.s32 $0xFFFFFFFF;
	p2 =	slt.u32 s8, $0xFFFFF086  }
0x1c: {  	p1 =	slt.u32 s9, $0xF7A;
	s5 =	simm.s32 @!p2 $0x0  }
0x1d: {  	s5 =	simm.s32 @p1 $0x1;
	p0 =	seq.s32 s7, s2  }
0x1e: {  	s7 =	smul.u32 @!p0 $0xF7A, s2;
	p2 =	seq.s32 @!p0 s5, $0x0  }
0x1f: {  	s9 =	smul.u32 $0xF7A, s1;
	s8 =	simm.s32 @!p0 $0x1BF5;
	p2 =	por !p2, p0  }
0x20: {  	[sflag:s8] =	ssyncset.s32 @!p0 $0xFFFFF086;
	s6 =	sadd.s32 @!p0 s3, s7;
	s7 =	simm.s32 @!p0 $0x108  }
0x21: {  	s3 =	sadd.s32 s3, s9;
	s6 =	sadd.s32 @!p0 $0x88, s6;
	s7 =	simm.s32 @p2 $0x1082  }
0x22: {  	[simem:s7], [sflag:s8] =	dma.local @!p0 [hbm:s6], $0xF7A  }
0x23: {  	s9 =	sor.u32 $0xD0000000, s2;
	s6 =	simm.s32 $0x108;
	_ =	swait.ge @!p0 [sflag:s8], $0x0  }
0x24: {  	s3 =	sadd.s32 $0x88, s3;
	s6 =	simm.s32 @!p1 $0x1082;
	[sflag:s4] =	ssyncset.s32 $0xFFFFF086  }
0x25: {  	[simem:s6], [sflag:s4] =	dma.local [hbm:s3], $0xF7A  }
0x26: {  	[smem:$0x3F9C] =	sst s1;
	(tag) =	ssettag s2;
	_ =	strace s9  }
0x27: {  	s1 =	sld [smem:$0x3FAC]  }
0x28: {  	s2 =	sld [smem:$0x3FAD]  }
0x29: {  	s4 =	sld [smem:$0x3FAF]  }
0x2a: {  	p0 =	seq.s32 s5, $0x0;
	s5 =	sld [smem:$0x3FB0]  }
0x2b: {  	s6 =	sld [smem:$0x3FB1]  }
0x2c: {  	s7 =	sld [smem:$0x3FB2]  }
0x2d: {  	s3 =	simm.s32 $0x108;
	s8 =	sld [smem:$0x3FB3]  }
0x2e: {  	s3 =	simm.s32 @!p0 $0x1082;
	s9 =	sld [smem:$0x3FB4]  }
0x2f: {  	lr =	sadd.s32 s0, s3;
	s0 =	sld [smem:$0x3FAB]  }
0x30: {  	s3 =	sld [smem:$0x3FAE]  }
0x31: {  	[smem:$0x3FB7] =	sst s10  }
0x32: {  	s10 =	sld [smem:$0x3FB5];
	_ =	sdelay $0x3  }
0x33: {  	p0 =	seq.s32 s10, $0x1;
	s10 =	sld [smem:$0x3FB7];
	_ =	sdelay $0x3  }
0x34: {  	[smem:$0x3FB7] =	sst s10  }
0x35: {  	s10 =	sld [smem:$0x3FB6];
	_ =	sdelay $0x3  }
0x36: {  	p1 =	seq.s32 s10, $0x1;
	s10 =	sld [smem:$0x3FB7];
	_ =	sdelay $0x3  }
0x37: {  	[smem:$0x3FB7] =	sst s10  }
0x38: {  	s10 =	sld [smem:$0x3FB8]  }
0x39: {  	_ = 	snop;
	(pc) =	sbr.ind lr, $3  }
0x3a: {  	_ = 	snop  }
0x3b: {  	_ = 	snop  }
0x3c: {  	p2 =	seq.s32 s10, $0x1;
	s10 =	sld [smem:$0x3FB7]  }
0x3d: {  	_ =	shalt  }
0x3e: {  	_ =	shalt  }
0x3f: {  	_ =	shalt  }
0x40: {  	_ =	shalt  }
0x41: {  	_ =	shalt  }
0x42: {  	_ =	shalt  }
0x43: {  	_ =	shalt  }
0x44: {  	_ =	shalt  }
0x45: {  	_ =	shalt  }
0x46: {  	_ =	shalt  }
0x47: {  	_ =	shalt  }
0x48: {  	_ =	shalt  }
0x49: {  	_ =	shalt  }
0x4a: {  	_ =	shalt  }
0x4b: {  	_ =	shalt  }
0x4c: {  	_ =	shalt  }
0x4d: {  	_ =	shalt  }
0x4e: {  	_ =	shalt  }
0x4f: {  	_ =	shalt  }
0x50: {  	_ =	shalt  }
0x51: {  	_ =	shalt  }
0x52: {  	_ =	shalt  }
0x53: {  	_ =	shalt  }
0x54: {  	_ =	shalt  }
0x55: {  	_ =	shalt  }
0x56: {  	_ =	shalt  }
0x57: {  	_ =	shalt  }
0x58: {  	_ =	shalt  }
0x59: {  	_ =	shalt  }
0x5a: {  	_ =	shalt  }
0x5b: {  	_ =	shalt  }
0x5c: {  	_ =	shalt  }
0x5d: {  	_ =	shalt  }
0x5e: {  	_ =	shalt  }
0x5f: {  	_ =	shalt  }
0x60: {  	_ =	shalt  }
0x61: {  	_ =	shalt  }
0x62: {  	_ =	shalt  }
0x63: {  	_ =	shalt  }
0x64: {  	_ =	shalt  }
0x65: {  	_ =	shalt  }
0x66: {  	_ =	shalt  }
0x67: {  	_ =	shalt  }
0x68: {  	_ =	shalt  }
0x69: {  	_ =	shalt  }
0x6a: {  	_ =	shalt  }
0x6b: {  	_ =	shalt  }
0x6c: {  	_ =	shalt  }
0x6d: {  	_ =	shalt  }
0x6e: {  	_ =	shalt  }
0x6f: {  	_ =	shalt  }
0x70: {  	_ =	shalt  }
0x71: {  	_ =	shalt  }
0x72: {  	_ =	shalt  }
0x73: {  	_ =	shalt  }
0x74: {  	_ =	shalt  }
0x75: {  	_ =	shalt  }
0x76: {  	_ =	shalt  }
0x77: {  	_ =	shalt  }
0x78: {  	_ =	shalt  }
0x79: {  	_ =	shalt  }
0x7a: {  	_ =	shalt  }
0x7b: {  	_ =	shalt  }
0x7c: {  	_ =	shalt  }
0x7d: {  	_ =	shalt  }
0x7e: {  	_ =	shalt  }
0x7f: {  	_ =	shalt  }
0x80: {  	_ =	shalt  }
0x81: {  	_ =	shalt  }
0x82: {  	_ =	shalt  }
0x83: {  	_ =	shalt  }
0x84: {  	_ =	shalt  }
0x85: {  	_ =	shalt  }
0x86: {  	_ =	shalt  }
0x87: {  	_ =	shalt  }
.Lfunc_end0:
.L_simem_size_0:
called_computation_lowered:
.L_overlay_start_0:
0x88: {  	s2 =	sld [smem:$0x3FD9]  }
0x89: {  	s3 =	sld [smem:$0x3FFE];
	_ =	sdelay $0x1  }
0x8a: {  	s1 =	srdreg.scid  }
0x8b: {  	s0 =	sand.u32 $0x1, s1  }
0x8c: {  	s17 =	sshll.u32 s0, $0xA;
	s2 =	sadd.s32 s3, s2  }
0x8d: {  	s2 =	sadd.s32 s2, s17  }
0x8e: {  	[smem:$0x3FC3] =	sst s2  }
0x8f: {  	_ = 	snop  }
0x90: {  	s2 =	sld [smem:$0x3FD0];
	(tm) =	ssettm $0x1  }
0x91: {  	s18 =	sld [smem:$0x3FFB];
	_ =	sdelay $0x3  }
0x92: {  	_ =	strace s18  }
0x93: {  	s3 =	sld [smem:$0x3FFC];
	_ =	sdelay $0x3  }
0x94: {  	_ =	strace s3  }
0x95: {  	s3 =	sld [smem:$0x3FFD];
	_ =	sdelay $0x3  }
0x96: {  	_ =	strace s3  }
0x97: {  	_ =	strace $0x8FFFFFFF  }
0x98: {  	s19 =	sld [smem:$0x3FDB];
	_ =	sdelay $0x1  }
0x99: {  	s4 =	simm.s32 $_scs_section_size  }
0x9a: {  	s5 =	simm.s32 $_size__tile_overlayer_lowered;
	s6 =	simm.s32 $_tile_overlayer_lowered  }
0x9b: {  	s22 =	simm.s32 $0x1BFF;
	s21 =	sshll.u32 s6, $0x1;
	s3 =	sadd.s32 s4, s19  }
0x9c: {  	s7 =	simm.s32 $0x0;
	s20 =	sshll.u32 s5, $0x1;
	s5 =	sadd.s32 s21, s3  }
0x9d: {  	[timem:s7], [sflag:s22] =	dma.local [hbm:s5], s20  }
0x9e: {  	_ =	swait.ge [sflag:s22], s20  }
0x9f: {  	s4 =	ssub.s32 $0x0, s20;
	[sflag:s22] =	ssyncset.done $0x0  }
0xa0: {  	[sflag:s22] =	ssyncadd.s32 s4;
	_ =	sdelay $0x1  }
0xa1: {  	s23 =	simm.s32 $0x1B8B  }
0xa2: {  	_ =	swait.ge [sflag:s23], $0x1  }
0xa3: {  	[sflag:s23] =	ssyncset.done $0x0  }
0xa4: {  	s25 =	simm.s32 $0x1B8E;
	s24 =	sld [smem:$0x3FFE];
	[sflag:s23] =	ssyncadd.s32 $0xFFFFFFFF  }
0xa5: {  	s26 =	simm.s32 $execute0_lowered;
	[smem:$0x3FD2] =	sst s25  }
0xa6: {  	s5 =	sshll.u32 s26, $0x1;
	_ =	strace $0x80000046;
	[dreg:$0x1] =	wrdreg $0xFFFFFFFF  }
0xa7: {  	s28 =	simm.s32 $_size_execute0_lowered;
	s3 =	sadd.s32 s3, s5;
	[dreg:$0x0] =	wrdreg $0x0  }
0xa8: {  	s5 =	sshll.u32 s28, $0x1;
	[dreg:$0x2] =	wrdreg s3  }
0xa9: {  	[dreg:$0x3] =	wrdreg s5  }
0xaa: {  	[dreg:$0x4] =	wrdreg $0xC0  }
0xab: {  	_ =	task [dreg:s7], $0x5FFFF  }
0xac: {  	[dreg:$0x1] =	wrdreg $0xFFFFFFFF  }
0xad: {  	[dreg:$0x0] =	wrdreg $0x60  }
0xae: {  	[dreg:$0x2] =	wrdreg s2  }
0xaf: {  	[dreg:$0x3] =	wrdreg s24  }
0xb0: {  	[dreg:$0x4] =	wrdreg $0x28000  }
0xb1: {  	[dreg:$0x5] =	wrdreg $0xC4800  }
0xb2: {  	[dreg:$0x6] =	wrdreg $0x9  }
0xb3: {  	_ =	task.clear_ibuf [dreg:s7], $0x7FFFF;
	_ =	strace $0x90000046  }
0xb4: {  	s29 =	simm.s32 $0x9;
	_ =	strace $0x80000048  }
0xb5: {  	_ =	swait.ge [sflag:s29], $0x1  }
0xb6: {  	[sflag:s29] =	ssyncadd.s32 $0xFFFFFFFF  }
0xb7: {  	_ =	strace $0x90000048  }
0xb8: {  	_ =	sfence  }
0xb9: {  	s30 =	sld [smem:$0x0];
	_ =	sdelay $0x2  }
0xba: {  	s31 =	sshll.u32 s1, $0xD;
	s1 =	sshrl.u32 s1, $0x2  }
0xbb: {  	s3 =	sand.u32 $0x4000, s31;
	s1 =	sadd.s32 s1, s30  }
0xbc: {  	s0 =	sor.u32 s3, s0;
	s1 =	sshll.u32 s1, $0x11  }
0xbd: {  	s0 =	sor.u32 s1, s0  }
0xbe: {  	s0 =	sadd.s32 $0x8F2B, s0  }
0xbf: {  	[sflag:s0] =	ssyncadd.remote.s32 $0x1  }
0xc0: {  	_ =	sfence.sel $0xFFFF  }
0xc1: {  	[dreg:$0x0] =	wrdreg $0xFFFFFFFF;
	(pc) =	sbr.abs _section_cstart, $3  }
0xc2: {  	[dreg:$0x1] =	wrdreg $0xFFFFFFFF  }
0xc3: {  	_ =	task.clear_ibuf [dreg:s7], $0x2FFFF;
	_ =	strace $0x9FFFFFFF  }
0xc4: {  	(tm) =	ssettm $0x7FFFFFFF  }
0xc5: {  	_ =	shalt  }
tec
execute0_lowered:
.L_overlay_start_1:
0x0: {  	(tag) =	ssettag $0x1  }
0x1: {  	s0 =	rddreg [dreg:$0x0]  }
0x2: {  	s6 =	rddreg [dreg:$0x1]  }
0x3: {  	s2 =	rddreg [dreg:$0x2];
	s1 =	stileid.u32  }
0x4: {  	s3 =	rddreg [dreg:$0x3];
	s5 =	smul.u32 $0x2780, s1  }
0x5: {  	s4 =	simm.s32 $0x0;
	s8 =	srdreg.scid;
	s7 =	smul.u32 $0x2740, s1  }
0x6: {  	s29 =	simm.s32 $0x4;
	s30 =	simm.s32 $0x400;
	s9 =	smul.u32 $0x28000, s1  }
0x7: {  	s31 =	simm.s32 $0x3;
	[smem:$0x7FF] =	sst s4;
	s13 =	smul.u32 $0x1400, s1  }
0x8: {  	s8 =	sand.u32 $0x1, s8;
	s14 =	smul.u32 $0x4F000, s1;
	s15 =	sadd.s32 $0x77200, s6  }
0x9: {  	p1 =	seq.s32 s1, $0x0;
	s18 =	sadd.s32 $0x96000, s2;
	s28 =	sadd.s32 $0x9C400, s2  }
0xa: {  	p5 =	sne.s32 s1, $0xF;
	p6 =	seq.s32 s1, $0xF;
	s11 =	smul.u32 $0x13880, s8  }
0xb: {  	_ =	strace $0x80000047;
	s12 =	ssub.s32 $0x2, s8;
	s24 =	smul.u32 $0x9C400, s8  }
0xc: {  	p0 =	seq.s32 s8, $0x1;
	s26 =	smul.u32 $0x138800, s8;
	p3 =	seq.s32 s8, $0x0  }
0xd: {  	p4 =	sne.s32 s8, $0x0;
	s18 =	sshrl.u32 s18, $0x3;
	s10 =	sadd.s32 s5, s6  }
0xe: {  	s5 =	sadd.s32 $0x76A00, s6;
	s17 =	sadd.s32 s7, s6;
	s20 =	sshrl.u32 s12, $0x1  }
0xf: {  	s21 =	sshrl.u32 s9, $0x2;
	s23 =	sshrl.u32 s14, $0x2;
	s6 =	sadd.s32 $0x74880, s6  }
0x10: {  	[dreg:$0x9] =	wrdreg s18;
	s16 =	ssub.s32 s12, s20;
	s9 =	sadd.s32 s21, s2  }
0x11: {  	s22 =	sadd.s32 s13, s11;
	s11 =	simm.s32 @!p0 $0x0;
	s10 =	sadd.s32 $0x4F800, s10  }
0x12: {  	s25 =	sshrl.u32 s24, $0x3;
	s13 =	smul.u32 $0x13C00, s1;
	[dreg:$0x8] =	wrdreg s6  }
0x13: {  	s12 =	sadd.s32 $0x28400, s17;
	s7 =	sadd.s32 s0, s22;
	s11 =	simm.s32 @p0 $0x1  }
0x14: {  	[dreg:$0x6] =	wrdreg s10;
	s0 =	sadd.s32 s0, s25;
	s10 =	sshrl.u32 s26, $0x3  }
0x15: {  	s25 =	smul.u32 $0x1388, s8;
	s8 =	simm.s32 $0x1;
	[dreg:$0x5] =	wrdreg s7  }
0x16: {  	s7 =	sadd.s32 s23, s3;
	[smem:$0x7FC] =	sst s11;
	s11 =	simm.s32 @!p1 $0x0  }
0x17: {  	s0 =	sadd.s32 $0x12C00, s0;
	s14 =	sadd.s32 s13, s26;
	s26 =	sshrl.u32 s9, $0x3  }
0x18: {  	s9 =	simm.s32 $0x2;
	s11 =	simm.s32 @p1 $0x1;
	p1 =	por !p1, !p0  }
0x19: {  	[dreg:$0x7] =	wrdreg s0;
	s19 =	sadd.s32 $0x4000, s7;
	s20 =	sadd.s32 $0x8000, s7  }
0x1a: {  	s22 =	sadd.s32 $0xC000, s7;
	s24 =	sadd.s32 $0x10000, s7;
	s6 =	sshrl.u32 s14, $0x3  }
0x1b: {  	s0 =	sshrl.u32 s28, $0x3;
	[dreg:$0xe] =	wrdreg s26;
	s26 =	sadd.s32 $0x128400, s3  }
0x1c: {  	s28 =	sadd.s32 $0x1388, s25;
	[smem:$0x7FD] =	sst s11;
	p2 =	por !p1, !p1  }
0x1d: {  	s11 =	sadd.s32 $0x1000, s17;
	s13 =	sadd.s32 s15, s6;
	s15 =	sadd.s32 s15, s10  }
0x1e: {  	[dreg:$0xa] =	wrdreg s0;
	s19 =	sshrl.u32 s19, $0x3;
	s21 =	sshrl.u32 s20, $0x3  }
0x1f: {  	s23 =	sshrl.u32 s22, $0x3;
	s0 =	sadd.s32 $0x138400, s3;
	s24 =	sshrl.u32 @!p6 s24, $0x3  }
0x20: {  	s20 =	simm.s32 $0x1FC4;
	s10 =	simm.s32 $0x800;
	s6 =	simm.s32 $0x1800  }
0x21: {  	s14 =	sadd.s32 $0x25080, s15;
	s15 =	smax.u32 s16, $0x1;
	[dreg:$0xb] =	wrdreg s19  }
0x22: {  	s16 =	sadd.s32 $0x1040, s17;
	s17 =	sadd.s32 $0x28440, s17;
	[dreg:$0xc] =	wrdreg s21  }
0x23: {  	v0 =	vmov s25;
	v1 =	vmov s28;
	[dreg:$0xd] =	wrdreg s23;
	s23 =	sshrl.u32 @p6 s0, $0x3;
	s0 =	simm.s32 $0x20  }
.LBB2_1:
.Ltmp0:
0x24: {  	(pc) =	sbr.rel @p5 .LBB2_5-.Ltmp0, $1  }
0x25: {  	_ =	sdelay $0x3  }
0x26: {  	s18 =	rddreg [dreg:$0x7]  }
0x27: {  	s19 =	rddreg [dreg:$0x9]  }
0x28: {  	[spmem:s19], [sflag:s20] =	dma.local [hbm:s18], $0xC80  }
0x29: {  	_ =	swait.ge [sflag:s29], $0xC80  }
0x2a: {  	[sflag:s29] =	ssyncset.done $0x0  }
.Ltmp1:
0x2b: {  	s28 =	rddreg [dreg:$0xa];
	[sflag:s29] =	ssyncadd.s32 $0xFFFFF380;
	(pc) =	sbr.rel @!p3 .LBB2_3-.Ltmp1, $4  }
0x2c: {  	[spmem:s28], [sflag:s20] =	dma.local [hbm:s5], $0x80  }
0x2d: {  	_ =	swait.ge [sflag:s29], $0x80  }
0x2e: {  	[sflag:s29] =	ssyncset.done $0x0  }
0x2f: {  	[sflag:s29] =	ssyncadd.s32 $0xFFFFFF80  }
0x30: {  	s18 =	sshrl.u32 s26, $0x3;
	s19 =	rddreg [dreg:$0x8]  }
0x31: {  	[spmem:s18], [sflag:s20] =	dma.local [hbm:s19], $0x2080  }
.Ltmp2:
0x32: {  	_ =	swait.ge [sflag:s29], $0x2080;
	(pc) =	sbr.rel .LBB2_11-.Ltmp2, $3  }
0x33: {  	[sflag:s29] =	ssyncset.done $0x0  }
0x34: {  	[sflag:s29] =	ssyncadd.s32 $0xFFFFDF80  }
0x35: {  	[bflag:$0x0] =	sbarrier.arrive $0xFFFF;
	_ =	sdelay $0x1  }
.LBB2_5:
0x36: {  	s18 =	sshll.u32 s1, $0x6;
	s19 =	rddreg [dreg:$0x5]  }
0x37: {  	s20 =	rddreg [dreg:$0xe];
	s18 =	sor.u32 $0x1C04, s18  }
0x38: {  	[spmem:s20], [sflag:s18] =	dma.local [hbm:s19], $0x1400  }
0x39: {  	_ =	swait.ge [sflag:s29], $0x1400  }
0x3a: {  	[sflag:s29] =	ssyncset.done $0x0  }
0x3b: {  	s19 =	sshrl.u32 @!p4 s7, $0x3;
	s20 =	rddreg [dreg:$0x6];
	[sflag:s29] =	ssyncadd.s32 $0xFFFFEC00  }
0x3c: {  	[spmem:s19], [sflag:s18] =	dma.local @!p4 [hbm:s20], $0x2780  }
.Ltmp3:
0x3d: {  	_ = 	snop;
	(pc) =	sbr.rel @!p2 .LBB2_7-.Ltmp3, $4  }
0x3e: {  	s18 =	simm.s32 @!p4 $0x4  }
0x3f: {  	_ =	swait.ge @!p4 [sflag:s18], $0x2780  }
0x40: {  	[sflag:s18] =	ssyncset.done @!p4 $0x0  }
0x41: {  	[sflag:s18] =	ssyncadd.s32 @!p4 $0xFFFFD880  }
0x42: {  	s18 =	sshrl.u32 s3, $0x3;
	s19 =	simm.s32 $0x1C04  }
0x43: {  	[spmem:s18], [sflag:s19] =	dma.local [hbm:s5], $0x800  }
.Ltmp4:
0x44: {  	_ =	swait.ge [sflag:s29], $0x800;
	(pc) =	sbr.rel .LBB2_10-.Ltmp4, $3  }
0x45: {  	[sflag:s29] =	ssyncset.done $0x0  }
0x46: {  	[sflag:s29] =	ssyncadd.s32 $0xFFFFF800  }
0x47: {  	[bflag:$0x0] =	sbarrier.arrive $0xFFFF;
	_ =	sdelay $0x1  }
.LBB2_3:
.Ltmp5:
0x48: {  	(pc) =	sbr.rel .LBB2_9-.Ltmp5, $2  }
0x49: {  	_ =	sdelay $0x1  }
0x4a: {  	[bflag:$0x0] =	sbarrier.arrive $0xFFFF;
	_ =	sdelay $0x1  }
.LBB2_7:
0x4b: {  	[bflag:$0x0] =	sbarrier.arrive $0xFFFF  }
0x4c: {  	s18 =	sld [smem:$0x7FC];
	_ =	sdelay $0x2  }
0x4d: {  	p0 =	seq.s32 s18, $0x1  }
.Ltmp6:
0x4e: {  	_ = 	snop;
	(pc) =	sbr.rel @!p0 .LBB2_11-.Ltmp6, $1  }
0x4f: {  	_ =	sdelay $0x3  }
0x50: {  	s18 =	sld [smem:$0x7FD];
	_ =	sdelay $0x2  }
0x51: {  	p0 =	seq.s32 s18, $0x1  }
.Ltmp7:
0x52: {  	_ = 	snop;
	(pc) =	sbr.rel @p0 .LBB2_10-.Ltmp7, $1  }
0x53: {  	_ =	sdelay $0x3  }
.LBB2_9:
0x54: {  	s18 =	sshll.u32 s1, $0x6  }
0x55: {  	s19 =	sshrl.u32 s3, $0x3;
	s20 =	sshrl.u32 s7, $0x3;
	s18 =	sor.u32 $0x1C04, s18  }
0x56: {  	[spmem:s20], [sflag:s18] =	dma.local [spmem:s19], $0x800  }
0x57: {  	_ =	swait.ge [sflag:s29], $0x800  }
0x58: {  	[sflag:s29] =	ssyncset.done $0x0  }
0x59: {  	[sflag:s29] =	ssyncadd.s32 $0xFFFFF800  }
.LBB2_10:
0x5a: {  	s18 =	sshll.u32 s1, $0x6  }
0x5b: {  	s19 =	sshrl.u32 s3, $0x3;
	s20 =	rddreg [dreg:$0xb];
	s18 =	sor.u32 $0x1C04, s18  }
0x5c: {  	[spmem:s20], [sflag:s18] =	dma.local [spmem:s19], $0x800  }
0x5d: {  	_ =	swait.ge [sflag:s29], $0x800  }
0x5e: {  	[sflag:s29] =	ssyncset.done $0x0  }
0x5f: {  	s25 =	rddreg [dreg:$0xc];
	[sflag:s29] =	ssyncadd.s32 $0xFFFFF800  }
0x60: {  	[spmem:s25], [sflag:s18] =	dma.local [spmem:s19], $0x800  }
0x61: {  	_ =	swait.ge [sflag:s29], $0x800  }
0x62: {  	[sflag:s29] =	ssyncset.done $0x0  }
0x63: {  	s28 =	rddreg [dreg:$0xd];
	[sflag:s29] =	ssyncadd.s32 $0xFFFFF800  }
0x64: {  	[spmem:s28], [sflag:s18] =	dma.local [spmem:s19], $0x800  }
0x65: {  	_ =	swait.ge [sflag:s29], $0x800  }
0x66: {  	[sflag:s29] =	ssyncset.done $0x0  }
0x67: {  	s19 =	sshrl.u32 @p6 s3, $0x3;
	[sflag:s29] =	ssyncadd.s32 $0xFFFFF800  }
0x68: {  	[spmem:s23], [sflag:s18] =	dma.local @p6 [spmem:s19], $0x80  }
0x69: {  	s19 =	simm.s32 @p6 $0x4  }
0x6a: {  	_ =	swait.ge @p6 [sflag:s19], $0x80  }
0x6b: {  	[sflag:s19] =	ssyncset.done @p6 $0x0  }
0x6c: {  	[sflag:s19] =	ssyncadd.s32 @p6 $0xFFFFFF80;
	s19 =	sshrl.u32 @!p6 s3, $0x3  }
0x6d: {  	[spmem:s24], [sflag:s18] =	dma.local @!p6 [spmem:s19], $0x780  }
0x6e: {  	s18 =	simm.s32 @!p6 $0x4  }
0x6f: {  	_ =	swait.ge @!p6 [sflag:s18], $0x780  }
0x70: {  	[sflag:s18] =	ssyncset.done @!p6 $0x0  }
0x71: {  	[sflag:s18] =	ssyncadd.s32 @!p6 $0xFFFFF880  }
.LBB2_11:
0x72: {  	s18 =	simm.s32 $0x0  }
0x73: {  	[tilespmem:s18], [sflag:$0x3] =	stream.linear.gather [hbm4b:s11+s18], $0x200, $0x38;
	[tilespmem:$0x1FD00] =	vst v63  }
0x74: {  	_ = 	snop  }
0x75: {  	[tilespmem:s30], [sflag:$0x3] =	stream.linear.gather [hbm4b:s12+s18], $0x200, $0x38;
	[tilespmem:$0x1FD00] =	vst v63  }
0x76: {  	[bflag:$0x0] =	sbarrier.arrive $0xFFFF  }
0x77: {  	_ =	swait.ge [sflag:s31], $0x200  }
0x78: {  	[sflag:s31] =	ssyncset.done $0x0  }
0x79: {  	[sflag:s31] =	ssyncadd.s32 $0xFFFFFE00  }
0x7a: {  	_ =	swait.ge [sflag:s31], $0x200  }
0x7b: {  	[sflag:s31] =	ssyncset.done $0x0  }
0x7c: {  	[sflag:s31] =	ssyncadd.s32 $0xFFFFFE00  }
0x7d: {  	v2 =	vld [tilespmem:$0x400]  }
0x7e: {  	v3 =	vld [tilespmem:$0x410]  }
0x7f: {  	v4 =	vld [tilespmem:$0x480]  }
0x80: {  	v5 =	vld [tilespmem:$0x490]  }
0x81: {  	v6 =	vld [tilespmem:$0x500]  }
0x82: {  	v7 =	vld [tilespmem:$0x510]  }
0x83: {  	v8 =	vld [tilespmem:$0x580];
	vm0 =	vge.s32 v2, v0;
	vm1 =	vlt.s32 v2, v1;
	v2 =	vsub.s32 v2, v0  }
0x84: {  	vm12 =	vge.s32 v3, v0;
	vm2 =	vlt.s32 v3, v1;
	v3 =	vsub.s32 v3, v0  }
0x85: {  	vm14 =	vge.s32 v4, v0;
	vm15 =	vlt.s32 v4, v1;
	vm4 =	vge.s32 v5, v0  }
0x86: {  	vm5 =	vlt.s32 v5, v1;
	v4 =	vsub.s32 v4, v0;
	v5 =	vsub.s32 v5, v0  }
0x87: {  	vm6 =	vge.s32 v6, v0;
	vm7 =	vlt.s32 v6, v1;
	vm8 =	vge.s32 v7, v0  }
0x88: {  	v9 =	vld [tilespmem:$0x590];
	vm3 =	vlt.s32 v7, v1;
	vm10 =	vge.s32 v8, v0;
	vm0 =	vmand vm0, vm1  }
0x89: {  	vm11 =	vlt.s32 v8, v1;
	vm13 =	vmand vm12, vm2;
	v2 =	vnsel vm0, $0x1388, v2  }
0x8a: {  	vm1 =	vmand vm4, vm5;
	vm9 =	vmand vm8, vm3;
	v3 =	vnsel vm13, $0x1388, v3;
	[tilespmem:$0x400] =	vst v2  }
0x8b: {  	vm12 =	vmand vm10, vm11;
	vm0 =	vmand vm14, vm15;
	v5 =	vnsel vm1, $0x1388, v5;
	[tilespmem:$0x410] =	vst v3  }
0x8c: {  	v4 =	vnsel vm0, $0x1388, v4;
	vm0 =	vmand vm6, vm7;
	v2 =	vsub.s32 v6, v0;
	[tilespmem:$0x490] =	vst v5  }
0x8d: {  	vm13 =	vge.s32 v9, v0;
	v3 =	vsub.s32 v7, v0;
	[tilespmem:$0x480] =	vst v4;
	v2 =	vnsel vm0, $0x1388, v2  }
0x8e: {  	vm14 =	vlt.s32 v9, v1;
	v3 =	vnsel vm9, $0x1388, v3;
	[tilespmem:$0x500] =	vst v2;
	v2 =	vsub.s32 v8, v0  }
0x8f: {  	vm15 =	vmand vm13, vm14;
	[tilespmem:$0x510] =	vst v3;
	v3 =	vsub.s32 v9, v0;
	v2 =	vnsel vm12, $0x1388, v2  }
0x90: {  	[tilespmem:$0x580] =	vst v2;
	v2 =	vnsel vm15, $0x1388, v3  }
0x91: {  	s19 =	simm.s32 $0x1;
	s25 =	simm.s32 $0x0;
	[tilespmem:$0x590] =	vst v2  }
0x92: {  	[tilespmem:s10], [sflag:$0x1] =	stream.indirect.gather [spmem:s2], $0x80, s30, s0, $0xb8;
	[tilespmem:$0x1FD00] =	vst v63  }
.LBB2_12:
0x93: {  	s20 =	sand.u32 $0x1, s19;
	p1 =	seq.s32 s25, $0x2700  }
0x94: {  	s20 =	sshll.u32 @!p1 s20, $0x9  }
0x95: {  	s28 =	sadd.s32 @!p1 s25, s16;
	s21 =	simm.s32 @!p1 $0x0;
	p0 =	seq.s32 @!p1 s25, $0x0  }
0x96: {  	[tilespmem:s20], [sflag:$0x3] =	stream.linear.gather @!p1 [hbm4b:s28+s21], $0x200, $0x38;
	[tilespmem:$0x1FD00] =	vst v63  }
0x97: {  	s22 =	sadd.s32 @!p1 s25, s17;
	s28 =	sor.u32 @!p1 $0x400, s20;
	p0 =	por p1, !p0  }
0x98: {  	[tilespmem:s28], [sflag:$0x3] =	stream.linear.gather @!p1 [hbm4b:s22+s21], $0x200, $0x38;
	[tilespmem:$0x1FD00] =	vst v63  }
0x99: {  	_ =	swait.ge @p0 [sflag:s9], $0x1000  }
0x9a: {  	s21 =	sand.u32 $0x200, s18;
	[sflag:s9] =	ssyncset.done @p0 $0x0  }
0x9b: {  	s22 =	sor.u32 $0x480, s21;
	[sflag:s9] =	ssyncadd.s32 @p0 $0xFFFFF000  }
0x9c: {  	[tilespmem:s6], [sflag:$0x1] =	stream.indirect.gather [spmem:s2], $0x80, s22, s0, $0xb8;
	[tilespmem:$0x1FD00] =	vst v63  }
0x9d: {  	_ =	swait.ge [sflag:s8], $0x1000  }
0x9e: {  	[sflag:s8] =	ssyncset.done $0x0  }
0x9f: {  	[sflag:s8] =	ssyncadd.s32 $0xFFFFF000  }
0xa0: {  	[spmem:s3] =	stream.indirect.scatter.add.f32 [tilespmem:s10], [sflag:$0x2], $0x80, s21, s0, $0xb8;
	[tilespmem:$0x1FD00] =	vst v63  }
0xa1: {  	_ =	swait.ge [sflag:s9], $0x1000  }
0xa2: {  	[sflag:s9] =	ssyncset.done $0x0  }
0xa3: {  	s22 =	sor.u32 $0x500, s21;
	[sflag:s9] =	ssyncadd.s32 $0xFFFFF000  }
0xa4: {  	[tilespmem:s10], [sflag:$0x1] =	stream.indirect.gather [spmem:s2], $0x80, s22, s0, $0xb8;
	[tilespmem:$0x1FD00] =	vst v63  }
0xa5: {  	_ =	swait.ge [sflag:s8], $0x1000  }
0xa6: {  	[sflag:s8] =	ssyncset.done $0x0  }
0xa7: {  	s22 =	sor.u32 $0x80, s21;
	[sflag:s8] =	ssyncadd.s32 $0xFFFFF000  }
0xa8: {  	[spmem:s3] =	stream.indirect.scatter.add.f32 [tilespmem:s6], [sflag:$0x2], $0x80, s22, s0, $0xb8;
	[tilespmem:$0x1FD00] =	vst v63  }
0xa9: {  	_ =	swait.ge [sflag:s9], $0x1000  }
0xaa: {  	[sflag:s9] =	ssyncset.done $0x0  }
0xab: {  	s22 =	sor.u32 $0x580, s21;
	[sflag:s9] =	ssyncadd.s32 $0xFFFFF000  }
0xac: {  	[tilespmem:s6], [sflag:$0x1] =	stream.indirect.gather [spmem:s2], $0x80, s22, s0, $0xb8;
	[tilespmem:$0x1FD00] =	vst v63  }
0xad: {  	_ =	swait.ge [sflag:s8], $0x1000  }
0xae: {  	[sflag:s8] =	ssyncset.done $0x0  }
0xaf: {  	s22 =	sor.u32 $0x100, s21;
	[sflag:s8] =	ssyncadd.s32 $0xFFFFF000  }
0xb0: {  	[spmem:s3] =	stream.indirect.scatter.add.f32 [tilespmem:s10], [sflag:$0x2], $0x80, s22, s0, $0xb8;
	[tilespmem:$0x1FD00] =	vst v63  }
0xb1: {  	_ =	swait.ge [sflag:s9], $0x1000  }
0xb2: {  	[sflag:s9] =	ssyncset.done $0x0  }
0xb3: {  	[sflag:s9] =	ssyncadd.s32 $0xFFFFF000  }
0xb4: {  	_ =	swait.ge [sflag:s8], $0x1000  }
0xb5: {  	[sflag:s8] =	ssyncset.done $0x0  }
0xb6: {  	s21 =	sor.u32 $0x180, s21;
	[sflag:s8] =	ssyncadd.s32 $0xFFFFF000  }
0xb7: {  	[spmem:s3] =	stream.indirect.scatter.add.f32 [tilespmem:s6], [sflag:$0x2], $0x80, s21, s0, $0xb8;
	[tilespmem:$0x1FD00] =	vst v63  }
0xb8: {  	s21 =	simm.s32 @!p1 $0x3  }
0xb9: {  	_ =	swait.ge @!p1 [sflag:s21], $0x200  }
0xba: {  	[sflag:s21] =	ssyncset.done @!p1 $0x0  }
0xbb: {  	[sflag:s21] =	ssyncadd.s32 @!p1 $0xFFFFFE00  }
0xbc: {  	_ =	swait.ge @!p1 [sflag:s21], $0x200  }
0xbd: {  	[sflag:s21] =	ssyncset.done @!p1 $0x0  }
0xbe: {  	[sflag:s21] =	ssyncadd.s32 @!p1 $0xFFFFFE00  }
0xbf: {  	v2 =	vld @!p1 [tilespmem:s20+$0x400]  }
0xc0: {  	v3 =	vld @!p1 [tilespmem:s20+$0x410]  }
0xc1: {  	v7 =	vld @!p1 [tilespmem:s20+$0x510]  }
0xc2: {  	v4 =	vld @!p1 [tilespmem:s20+$0x480]  }
0xc3: {  	v5 =	vld @!p1 [tilespmem:s20+$0x490];
	_ =	sdelay $0x1  }
0xc4: {  	v6 =	vld @!p1 [tilespmem:s20+$0x500];
	vm0 =	vge.s32 @!p1 v2, v0;
	vm1 =	vlt.s32 @!p1 v2, v1;
	v2 =	vsub.s32 @!p1 v2, v0  }
0xc5: {  	vm2 =	vlt.s32 @!p1 v3, v1;
	vm3 =	vlt.s32 @!p1 v7, v1;
	vm0 =	vmand @!p1 vm0, vm1  }
0xc6: {  	vm1 =	vge.s32 @!p1 v3, v0;
	v3 =	vsub.s32 @!p1 v3, v0;
	v2 =	vnsel @!p1 vm0, $0x1388, v2  }
0xc7: {  	vm0 =	vmand @!p1 vm1, vm2;
	vm1 =	vlt.s32 @!p1 v4, v1;
	vm2 =	vlt.s32 @!p1 v5, v1  }
0xc8: {  	v8 =	vld @!p1 [tilespmem:s20+$0x580];
	v3 =	vnsel @!p1 vm0, $0x1388, v3;
	vm0 =	vge.s32 @!p1 v4, v0;
	v4 =	vsub.s32 @!p1 v4, v0  }
0xc9: {  	[tilespmem:s20+$0x400] =	vst @!p1 v2;
	v2 =	vsub.s32 @!p1 v6, v0;
	vm0 =	vmand @!p1 vm0, vm1;
	vm1 =	vge.s32 @!p1 v5, v0  }
0xca: {  	v9 =	vld @!p1 [tilespmem:s20+$0x590];
	v5 =	vsub.s32 @!p1 v5, v0;
	vm1 =	vmand @!p1 vm1, vm2;
	v4 =	vnsel @!p1 vm0, $0x1388, v4  }
0xcb: {  	vm0 =	vge.s32 @!p1 v6, v0;
	v5 =	vnsel @!p1 vm1, $0x1388, v5;
	vm1 =	vlt.s32 @!p1 v6, v1  }
0xcc: {  	s25 =	sadd.s32 @!p1 $0x40, s25;
	[tilespmem:s20+$0x410] =	vst @!p1 v3;
	v3 =	vsub.s32 @!p1 v7, v0;
	vm2 =	vge.s32 @!p1 v7, v0;
	vm0 =	vmand @!p1 vm0, vm1  }
0xcd: {  	p0 =	sne.s32 @!p1 s25, $0x2740;
	[tilespmem:s20+$0x480] =	vst @!p1 v4;
	vm1 =	vmand @!p1 vm2, vm3;
	vm2 =	vge.s32 @!p1 v8, v0;
	vm3 =	vlt.s32 @!p1 v8, v1  }
0xce: {  	p0 =	por p1, !p0;
	[tilespmem:s20+$0x490] =	vst @!p1 v5;
	v2 =	vnsel @!p1 vm0, $0x1388, v2;
	v3 =	vnsel @!p1 vm1, $0x1388, v3;
	vm0 =	vmand @!p1 vm2, vm3  }
.Ltmp8:
0xcf: {  	vm1 =	vge.s32 @!p1 v9, v0;
	vm2 =	vlt.s32 @!p1 v9, v1;
	[tilespmem:s20+$0x500] =	vst @!p1 v2;
	v2 =	vsub.s32 @!p1 v8, v0;
	(pc) =	sbr.rel @!p0 .LBB2_12-.Ltmp8, $4  }
0xd0: {  	[tilespmem:s20+$0x510] =	vst @!p1 v3;
	v3 =	vsub.s32 @!p1 v9, v0;
	v2 =	vnsel @!p1 vm0, $0x1388, v2;
	vm0 =	vmand @!p1 vm1, vm2  }
0xd1: {  	s19 =	sadd.s32 @!p1 $0x1, s19;
	[tilespmem:s20+$0x580] =	vst @!p1 v2;
	v2 =	vnsel @!p1 vm0, $0x1388, v3  }
0xd2: {  	s18 =	sadd.s32 @!p1 $0x200, s18;
	s21 =	simm.s32 @!p1 $0x800;
	[tilespmem:s20+$0x590] =	vst @!p1 v2;
	s20 =	simm.s32 @!p1 $0x20  }
0xd3: {  	[tilespmem:s21], [sflag:$0x1] =	stream.indirect.gather @!p1 [spmem:s2], $0x80, s28, s20, $0xb8;
	[tilespmem:$0x1FD00] =	vst v63  }
0xd4: {  	_ =	swait.ge [sflag:s9], $0x1000  }
0xd5: {  	[sflag:s9] =	ssyncset.done $0x0  }
0xd6: {  	[sflag:s9] =	ssyncadd.s32 $0xFFFFF000  }
0xd7: {  	s18 =	sshrl.u32 @p6 s26, $0x3;
	s19 =	simm.s32 @p6 $0x1FC4;
	[bflag:$0x0] =	sbarrier.arrive $0xFFFF  }
0xd8: {  	[hbm:s14], [sflag:s19] =	dma.local @p6 [spmem:s18], $0x2080  }
0xd9: {  	s18 =	simm.s32 @p6 $0x4  }
0xda: {  	s4 =	sadd.s32 $0x1, s4;
	_ =	swait.ge @p6 [sflag:s18], $0x2080  }
0xdb: {  	p0 =	sne.s32 s4, s15;
	s19 =	sshll.u32 @!p6 s1, $0x6;
	[sflag:s18] =	ssyncset.done @p6 $0x0  }
0xdc: {  	[sflag:s18] =	ssyncadd.s32 @p6 $0xFFFFDF80;
	s18 =	sor.u32 @!p6 $0x1C04, s19;
	s19 =	sshrl.u32 @!p6 s7, $0x3  }
0xdd: {  	[hbm:s13], [sflag:s18] =	dma.local @!p6 [spmem:s19], $0x2780  }
.Ltmp9:
0xde: {  	_ = 	snop;
	(pc) =	sbr.rel @p0 .LBB2_1-.Ltmp9, $4  }
0xdf: {  	s18 =	simm.s32 @!p6 $0x4  }
0xe0: {  	_ =	swait.ge @!p6 [sflag:s18], $0x2780  }
0xe1: {  	[sflag:s18] =	ssyncset.done @!p6 $0x0  }
0xe2: {  	s20 =	simm.s32 $0x1FC4;
	[sflag:s18] =	ssyncadd.s32 @!p6 $0xFFFFD880  }
0xe3: {  	_ =	sfence.sel $0x180000  }
0xe4: {  	[bflag:$0x0] =	sbarrier.arrive $0xFFFF  }
0xe5: {  	_ =	strace $0x90000047  }
0xe6: {  	[bflag:$0x2] =	sbarrier.arrive $0xFFFF  }
0xe7: {  	p0 =	sne.s32 s1, $0x0;
	s0 =	rddreg [dreg:$0x4]  }
0xe8: {  	s0 =	sadd.s32 @!p0 $0x100000, s0  }
0xe9: {  	[sflag:s0] =	ssyncadd.tile.s32 @!p0 $0x1;
	_ =	shalt  }
.Lfunc_end2:
_tile_overlayer_lowered:
.L_overlay_start_2:
0xea: {  	(tag) =	ssettag $0x2  }
0xeb: {  	s0 =	rddreg [dreg:$0x0];
	s2 =	stileid.u32  }
0xec: {  	s1 =	rddreg [dreg:$0x1];
	p0 =	sne.s32 s2, $0x0  }
0xed: {  	s3 =	rddreg [dreg:$0x2];
	[bflag:$0x3] =	sbarrier.arrive $0xFFFF;
	s2 =	simm.s32 @!p0 $0x1C04  }
0xee: {  	[timem:s3], [sflag:s2] =	dma.local @!p0 [hbm:s0], s1  }
0xef: {  	s0 =	simm.s32 @!p0 $0x4  }
0xf0: {  	_ =	swait.ge @!p0 [sflag:s0], s1  }
0xf1: {  	s1 =	ssub.s32 @!p0 $0x0, s1;
	[sflag:s0] =	ssyncset.done @!p0 $0x0  }
0xf2: {  	[sflag:s0] =	ssyncadd.s32 @!p0 s1  }
0xf3: {  	[bflag:$0x3] =	sbarrier.arrive $0xFFFF  }
0xf4: {  	_ =	shalt  }

</sc_bundles>
